<compile_context>
chip_gen: v7x
topology: tpu7x:2x2x1
jax: 0.10.2.dev20260603
libtpu: 0.0.44.dev20260713+nightly
codegen_flags: <defaults>
</compile_context>

<pallas_src>
import jax
import jax.numpy as jnp
from jax import lax
from jax.experimental import pallas as pl
from jax.experimental.pallas import tpu as pltpu
from jax.experimental.pallas import tpu_sc as plsc

DX, DY, DZ = 24, 24, 16
DOUT = DX + DY + DZ
NF = DOUT // 2
NC, NS = 2, 16
NW = NC * NS
CHUNK = 1024
BLK = 128
SEG = (CHUNK // BLK) * 2 * BLK
L = 16


def _body(ix_hbm, iy_hbm, iz_hbm, tx_hbm, ty_hbm, tz_hbm, out_hbm,
          ix_v, iy_v, iz_v, tx_v, ty_v, tz_v, out_v, sem):
    n = out_hbm.shape[0] // DOUT
    tok_per_w = n // NW
    n_chunks = tok_per_w // CHUNK
    wid = lax.axis_index("s") * NC + lax.axis_index("c")
    base_w = wid * tok_per_w
    pltpu.sync_copy(tx_hbm, tx_v)
    pltpu.sync_copy(ty_hbm, ty_v)
    pltpu.sync_copy(tz_hbm, tz_v)

    def group(s, carry):
        ixg = ix_v[pl.ds(s * L, L)]
        iyg = iy_v[pl.ds(s * L, L)]
        izg = iz_v[pl.ds(s * L, L)]
        obase = (s // 8) * (2 * BLK) + (s % 8) * L
        for w in range(DOUT):
            if w < DX:
                v = plsc.load_gather(tx_v, [ixg + w])
            elif w < DX + DY:
                v = plsc.load_gather(ty_v, [iyg + (w - DX)])
            else:
                v = plsc.load_gather(tz_v, [izg + (w - DX - DY)])
            f, r = w // 2, w % 2
            out_v[pl.ds(f * SEG + r * BLK + obase, L)] = v
        return carry

    @pl.loop(0, n_chunks)
    def chunk_loop(j):
        base = pl.multiple_of(base_w + j * CHUNK, CHUNK)
        ci = pltpu.async_copy(ix_hbm.at[pl.ds(base, CHUNK)], ix_v, sem)
        cy = pltpu.async_copy(iy_hbm.at[pl.ds(base, CHUNK)], iy_v, sem)
        cz = pltpu.async_copy(iz_hbm.at[pl.ds(base, CHUNK)], iz_v, sem)
        ci.wait()
        cy.wait()
        cz.wait()
        lax.fori_loop(0, CHUNK // L, group, 0)
        copies = []
        for f in range(NF):
            copies.append(pltpu.async_copy(
                out_v.at[pl.ds(f * SEG, SEG)],
                out_hbm.at[pl.ds(f * (2 * n) + base * 2, SEG)], sem))
        for c in copies:
            c.wait()


@jax.jit
def kernel(indices, cis_x, cis_y, cis_z):
    n = indices.shape[0]
    ix = indices[:, 0] * DX
    iy = indices[:, 1] * DY
    iz = indices[:, 2] * DZ
    tx = cis_x.reshape(-1)
    ty = cis_y.reshape(-1)
    tz = cis_z.reshape(-1)
    mesh = plsc.VectorSubcoreMesh(core_axis_name="c", subcore_axis_name="s",
                                  num_cores=NC, num_subcores=NS)
    out = pl.kernel(
        _body,
        out_type=jax.ShapeDtypeStruct((n * DOUT,), jnp.float32),
        mesh=mesh,
        scratch_types=[
            pltpu.VMEM((CHUNK,), jnp.int32),
            pltpu.VMEM((CHUNK,), jnp.int32),
            pltpu.VMEM((CHUNK,), jnp.int32),
            pltpu.VMEM((1024 * DX,), jnp.float32),
            pltpu.VMEM((1024 * DY,), jnp.float32),
            pltpu.VMEM((512 * DZ,), jnp.float32),
            pltpu.VMEM((CHUNK * DOUT,), jnp.float32),
            pltpu.SemaphoreType.DMA,
        ],
        compiler_params=pltpu.CompilerParams(needs_layout_passes=False),
    )(ix, iy, iz, tx, ty, tz)
    o4 = out.reshape(NF, n // BLK, 2, BLK)
    return o4.transpose(1, 3, 0, 2).reshape(n, NF, 2)[None]

# --- scband reference (transcript-rebuilt; emitter-appended) ---
"""Pipeline reference for scband-ro-pe-35270271435672 (READ-ONLY COPY).

The authoritative reference and input builder live on the scoring server;
editing this copy changes nothing except your own understanding.
"""

import jax, jax.numpy as jnp
import numpy as np

THETA = 100.0
FREQ_SPLIT = (12, 12, 8)
MAX_GRID = (1024, 1024, 512)
N_TOKENS = 524288


def _precompute(n_freq, max_pos):
    # freqs = 1 / theta ** linspace(0, 1, n_freq)
    freqs = (1.0 / (THETA ** np.linspace(0.0, 1.0, n_freq))).astype(np.float32)
    pos = np.arange(max_pos, dtype=np.float32)
    ang = np.outer(pos, freqs)  # [max_pos, n_freq]
    # torch.polar(ones, ang) == exp(i*ang); represent complex as (real=cos, imag=sin)
    return np.stack([np.cos(ang), np.sin(ang)], axis=-1).astype(np.float32)  # [max_pos, n_freq, 2]


def setup_inputs(seed: int = 0) -> dict:
    key = jax.random.key(seed)
    indices = jax.random.randint(key, (N_TOKENS, 3), 0, 512, dtype=jnp.int32)
    cis_x = jnp.asarray(_precompute(FREQ_SPLIT[0], MAX_GRID[0]))
    cis_y = jnp.asarray(_precompute(FREQ_SPLIT[1], MAX_GRID[1]))
    cis_z = jnp.asarray(_precompute(FREQ_SPLIT[2], MAX_GRID[2]))
    return {"indices": indices, "cis_x": cis_x, "cis_y": cis_y, "cis_z": cis_z}


def reference(indices, cis_x, cis_y, cis_z):
    # compute_axial_cis_efficient: per-axis cache gather, concat on freq dim, add batch dim.
    gx = jnp.take(cis_x, indices[:, 0], axis=0)  # [N, 12, 2]
    gy = jnp.take(cis_y, indices[:, 1], axis=0)  # [N, 12, 2]
    gz = jnp.take(cis_z, indices[:, 2], axis=0)  # [N, 8, 2]
    out = jnp.concatenate([gx, gy, gz], axis=1)  # [N, 32, 2] (complex as last-dim (re, im))
    return out[None]  # [1, N, 32, 2]

if __name__ == "__main__":
    import jax
    _d = setup_inputs()
    print(jax.jit(kernel)(*tuple(_d.values())))

</pallas_src>

<mosaic_0001>
#map = affine_map<(d0, d1) -> (0)>
module attributes {stable_mosaic.version = 14 : i64} {
  func.func @_body(%arg0: i32, %arg1: i32, %arg2: memref<524288xi32, #tpu.memory_space<hbm>>, %arg3: memref<524288xi32, #tpu.memory_space<hbm>>, %arg4: memref<524288xi32, #tpu.memory_space<hbm>>, %arg5: memref<24576xf32, #tpu.memory_space<hbm>>, %arg6: memref<24576xf32, #tpu.memory_space<hbm>>, %arg7: memref<8192xf32, #tpu.memory_space<hbm>>, %arg8: memref<33554432xf32, #tpu.memory_space<hbm>>, %arg9: memref<1024xi32, #tpu.memory_space<vmem>>, %arg10: memref<1024xi32, #tpu.memory_space<vmem>>, %arg11: memref<1024xi32, #tpu.memory_space<vmem>>, %arg12: memref<24576xf32, #tpu.memory_space<vmem>>, %arg13: memref<24576xf32, #tpu.memory_space<vmem>>, %arg14: memref<8192xf32, #tpu.memory_space<vmem>>, %arg15: memref<65536xf32, #tpu.memory_space<vmem>>, %arg16: memref<!tpu.dma_semaphore, #tpu.memory_space<semaphore_mem>>) attributes {dimension_semantics = [#tpu.dimension_semantics<core_parallel>, #tpu.dimension_semantics<subcore_parallel>], iteration_bounds = array<i64: 2, 16>, scalar_prefetch = 0 : i64, scratch_operands = 8 : i64, tpu.core_type = #tpu.core_type<sc_vector_subcore>, window_params = [{transform_indices = #map}, {transform_indices = #map}, {transform_indices = #map}, {transform_indices = #map}, {transform_indices = #map}, {transform_indices = #map}, {transform_indices = #map}]} {
    %mul3A = arith.constant 2 : i32
    %mul3A_0 = arith.muli %arg1, %mul3A : i32
    %add3A = arith.addi %mul3A_0, %arg0 : i32
    %mul3A_1 = arith.constant 16384 : i32
    %mul3A_2 = arith.muli %add3A, %mul3A_1 : i32
    "tpu.region"() ({
      %run_scoped3A = tpu.sem_alloc : memref<!tpu.dma_semaphore, #tpu.memory_space<semaphore_mem>>
      tpu.enqueue_dma source(%arg5 : memref<24576xf32, #tpu.memory_space<hbm>>) target(%arg12 : memref<24576xf32, #tpu.memory_space<vmem>>) target_semaphore(%run_scoped3A : memref<!tpu.dma_semaphore, #tpu.memory_space<semaphore_mem>>)
      tpu.wait_dma2 semaphore(%run_scoped3A : memref<!tpu.dma_semaphore, #tpu.memory_space<semaphore_mem>>) src(%arg5 : memref<24576xf32, #tpu.memory_space<hbm>>) dst(%arg12 : memref<24576xf32, #tpu.memory_space<vmem>>)
      tpu.yield
    }) : () -> ()
    "tpu.region"() ({
      %run_scoped3A = tpu.sem_alloc : memref<!tpu.dma_semaphore, #tpu.memory_space<semaphore_mem>>
      tpu.enqueue_dma source(%arg6 : memref<24576xf32, #tpu.memory_space<hbm>>) target(%arg13 : memref<24576xf32, #tpu.memory_space<vmem>>) target_semaphore(%run_scoped3A : memref<!tpu.dma_semaphore, #tpu.memory_space<semaphore_mem>>)
      tpu.wait_dma2 semaphore(%run_scoped3A : memref<!tpu.dma_semaphore, #tpu.memory_space<semaphore_mem>>) src(%arg6 : memref<24576xf32, #tpu.memory_space<hbm>>) dst(%arg13 : memref<24576xf32, #tpu.memory_space<vmem>>)
      tpu.yield
    }) : () -> ()
    "tpu.region"() ({
      %run_scoped3A = tpu.sem_alloc : memref<!tpu.dma_semaphore, #tpu.memory_space<semaphore_mem>>
      tpu.enqueue_dma source(%arg7 : memref<8192xf32, #tpu.memory_space<hbm>>) target(%arg14 : memref<8192xf32, #tpu.memory_space<vmem>>) target_semaphore(%run_scoped3A : memref<!tpu.dma_semaphore, #tpu.memory_space<semaphore_mem>>)
      tpu.wait_dma2 semaphore(%run_scoped3A : memref<!tpu.dma_semaphore, #tpu.memory_space<semaphore_mem>>) src(%arg7 : memref<8192xf32, #tpu.memory_space<hbm>>) dst(%arg14 : memref<8192xf32, #tpu.memory_space<vmem>>)
      tpu.yield
    }) : () -> ()
    %scan3A = arith.constant 0 : i32
    %scan3A_3 = arith.constant 16 : i32
    %scan3A_4 = arith.addi %scan3A, %scan3A_3 : i32
    %scan3A_5 = arith.constant 1 : i32
    scf.for %scan3A_7 = %scan3A to %scan3A_4 step %scan3A_5  : i32 {
      %mul3A_8 = arith.constant 1 : i32
      %mul3A_9 = arith.muli %scan3A_7, %mul3A_8 : i32
      %add3A_10 = arith.constant 0 : i32
      %add3A_11 = arith.addi %add3A_10, %mul3A_9 : i32
      %mul3A_12 = arith.constant 1024 : i32
      %mul3A_13 = arith.muli %add3A_11, %mul3A_12 : i32
      %add3A_14 = arith.addi %mul3A_2, %mul3A_13 : i32
      %multiple_of3A = tpu.assume_multiple %add3A_14, 1024 : i32
      %dma_start3A = tpu.memref_slice %arg2[%multiple_of3A] : memref<524288xi32, #tpu.memory_space<hbm>> -> memref<1024xi32, #tpu.memory_space<hbm>>
      %dma_start3A_15 = tpu.memref_slice %arg2[%multiple_of3A] : memref<524288xi32, #tpu.memory_space<hbm>> -> memref<1024xi32, #tpu.memory_space<hbm>>
      tpu.enqueue_dma source(%dma_start3A_15 : memref<1024xi32, #tpu.memory_space<hbm>>) target(%arg9 : memref<1024xi32, #tpu.memory_space<vmem>>) target_semaphore(%arg16 : memref<!tpu.dma_semaphore, #tpu.memory_space<semaphore_mem>>)
      %dma_start3A_16 = tpu.memref_slice %arg3[%multiple_of3A] : memref<524288xi32, #tpu.memory_space<hbm>> -> memref<1024xi32, #tpu.memory_space<hbm>>
      %dma_start3A_17 = tpu.memref_slice %arg3[%multiple_of3A] : memref<524288xi32, #tpu.memory_space<hbm>> -> memref<1024xi32, #tpu.memory_space<hbm>>
      tpu.enqueue_dma source(%dma_start3A_17 : memref<1024xi32, #tpu.memory_space<hbm>>) target(%arg10 : memref<1024xi32, #tpu.memory_space<vmem>>) target_semaphore(%arg16 : memref<!tpu.dma_semaphore, #tpu.memory_space<semaphore_mem>>)
      %dma_start3A_18 = tpu.memref_slice %arg4[%multiple_of3A] : memref<524288xi32, #tpu.memory_space<hbm>> -> memref<1024xi32, #tpu.memory_space<hbm>>
      %dma_start3A_19 = tpu.memref_slice %arg4[%multiple_of3A] : memref<524288xi32, #tpu.memory_space<hbm>> -> memref<1024xi32, #tpu.memory_space<hbm>>
      tpu.enqueue_dma source(%dma_start3A_19 : memref<1024xi32, #tpu.memory_space<hbm>>) target(%arg11 : memref<1024xi32, #tpu.memory_space<vmem>>) target_semaphore(%arg16 : memref<!tpu.dma_semaphore, #tpu.memory_space<semaphore_mem>>)
      %dma_wait3A = tpu.memref_slice %arg2[%multiple_of3A] : memref<524288xi32, #tpu.memory_space<hbm>> -> memref<1024xi32, #tpu.memory_space<hbm>>
      %dma_wait3A_20 = tpu.memref_slice %arg2[%multiple_of3A] : memref<524288xi32, #tpu.memory_space<hbm>> -> memref<1024xi32, #tpu.memory_space<hbm>>
      tpu.wait_dma2 semaphore(%arg16 : memref<!tpu.dma_semaphore, #tpu.memory_space<semaphore_mem>>) src(%dma_wait3A_20 : memref<1024xi32, #tpu.memory_space<hbm>>) dst(%arg9 : memref<1024xi32, #tpu.memory_space<vmem>>)
      %dma_wait3A_21 = tpu.memref_slice %arg3[%multiple_of3A] : memref<524288xi32, #tpu.memory_space<hbm>> -> memref<1024xi32, #tpu.memory_space<hbm>>
      %dma_wait3A_22 = tpu.memref_slice %arg3[%multiple_of3A] : memref<524288xi32, #tpu.memory_space<hbm>> -> memref<1024xi32, #tpu.memory_space<hbm>>
      tpu.wait_dma2 semaphore(%arg16 : memref<!tpu.dma_semaphore, #tpu.memory_space<semaphore_mem>>) src(%dma_wait3A_22 : memref<1024xi32, #tpu.memory_space<hbm>>) dst(%arg10 : memref<1024xi32, #tpu.memory_space<vmem>>)
      %dma_wait3A_23 = tpu.memref_slice %arg4[%multiple_of3A] : memref<524288xi32, #tpu.memory_space<hbm>> -> memref<1024xi32, #tpu.memory_space<hbm>>
      %dma_wait3A_24 = tpu.memref_slice %arg4[%multiple_of3A] : memref<524288xi32, #tpu.memory_space<hbm>> -> memref<1024xi32, #tpu.memory_space<hbm>>
      tpu.wait_dma2 semaphore(%arg16 : memref<!tpu.dma_semaphore, #tpu.memory_space<semaphore_mem>>) src(%dma_wait3A_24 : memref<1024xi32, #tpu.memory_space<hbm>>) dst(%arg11 : memref<1024xi32, #tpu.memory_space<vmem>>)
      %scan3A_25 = arith.constant 0 : i32
      %scan3A_26 = arith.constant 0 : i32
      %scan3A_27 = arith.constant 64 : i32
      %scan3A_28 = arith.addi %scan3A_26, %scan3A_27 : i32
      %scan3A_29 = arith.constant 1 : i32
      scf.for %scan3A_543 = %scan3A_26 to %scan3A_28 step %scan3A_29  : i32 {
        %mul3A_544 = arith.constant 16 : i32
        %mul3A_545 = arith.muli %scan3A_543, %mul3A_544 : i32
        %get3A = arith.index_cast %mul3A_545 : i32 to index
        %get3A_546 = tpu.vector_load %arg9[%get3A] {strides = array<i32>} : memref<1024xi32, #tpu.memory_space<vmem>>, vector<16xi32>,
        %mul3A_547 = arith.constant 16 : i32
        %mul3A_548 = arith.muli %scan3A_543, %mul3A_547 : i32
        %get3A_549 = arith.index_cast %mul3A_548 : i32 to index
        %get3A_550 = tpu.vector_load %arg10[%get3A_549] {strides = array<i32>} : memref<1024xi32, #tpu.memory_space<vmem>>, vector<16xi32>,
        %mul3A_551 = arith.constant 16 : i32
        %mul3A_552 = arith.muli %scan3A_543, %mul3A_551 : i32
        %get3A_553 = arith.index_cast %mul3A_552 : i32 to index
        %get3A_554 = tpu.vector_load %arg11[%get3A_553] {strides = array<i32>} : memref<1024xi32, #tpu.memory_space<vmem>>, vector<16xi32>,
        %jit3A = arith.constant 8 : i32
        %div3A = arith.divsi %scan3A_543, %jit3A : i32
        %sign3A = arith.constant 0 : i32
        %sign3A_555 = arith.cmpi sgt, %scan3A_543, %sign3A : i32
        %sign3A_556 = arith.extui %sign3A_555 : i1 to i32
        %sign3A_557 = arith.constant 0 : i32
        %sign3A_558 = arith.cmpi slt, %scan3A_543, %sign3A_557 : i32
        %sign3A_559 = arith.extui %sign3A_558 : i1 to i32
        %sign3A_560 = arith.subi %sign3A_556, %sign3A_559 : i32
        %sign3A_561 = arith.constant 0 : i32
        %sign3A_562 = arith.cmpi sgt, %jit3A, %sign3A_561 : i32
        %sign3A_563 = arith.extui %sign3A_562 : i1 to i32
        %sign3A_564 = arith.constant 0 : i32
        %sign3A_565 = arith.cmpi slt, %jit3A, %sign3A_564 : i32
        %sign3A_566 = arith.extui %sign3A_565 : i1 to i32
        %sign3A_567 = arith.subi %sign3A_563, %sign3A_566 : i32
        %ne3A = arith.cmpi ne, %sign3A_560, %sign3A_567 : i32
        %rem3A = arith.remsi %scan3A_543, %jit3A : i32
        %ne3A_568 = arith.constant 0 : i32
        %ne3A_569 = arith.cmpi ne, %rem3A, %ne3A_568 : i32
        %and3A = arith.andi %ne3A, %ne3A_569 : i1
        %sub3A = arith.constant 1 : i32
        %sub3A_570 = arith.subi %div3A, %sub3A : i32
        %select_n3A = arith.select %and3A, %sub3A_570, %div3A : i32
        %mul3A_571 = arith.constant 256 : i32
        %mul3A_572 = arith.muli %select_n3A, %mul3A_571 : i32
        %jit3A_573 = arith.constant 8 : i32
        %eq3A = arith.constant 0 : i32
        %eq3A_574 = arith.cmpi eq, %jit3A_573, %eq3A : i32
        %jit3A_575 = arith.constant 1 : i32
        %select_n3A_576 = arith.select %eq3A_574, %jit3A_575, %jit3A_573 : i32
        %rem3A_577 = arith.remsi %scan3A_543, %select_n3A_576 : i32
        %ne3A_578 = arith.constant 0 : i32
        %ne3A_579 = arith.cmpi ne, %rem3A_577, %ne3A_578 : i32
        %lt3A = arith.constant 0 : i32
        %lt3A_580 = arith.cmpi slt, %rem3A_577, %lt3A : i32
        %lt3A_581 = arith.constant 0 : i32
        %lt3A_582 = arith.cmpi slt, %select_n3A_576, %lt3A_581 : i32
        %ne3A_583 = arith.xori %lt3A_580, %lt3A_582 : i1
        %and3A_584 = arith.andi %ne3A_583, %ne3A_579 : i1
        %add3A_585 = arith.addi %rem3A_577, %select_n3A_576 : i32
        %select_n3A_586 = arith.select %and3A_584, %add3A_585, %rem3A_577 : i32
        %mul3A_587 = arith.constant 16 : i32
        %mul3A_588 = arith.muli %select_n3A_586, %mul3A_587 : i32
        %add3A_589 = arith.addi %mul3A_572, %mul3A_588 : i32
        %add3A_590 = arith.constant 0 : i32
        %add3A_591 = vector.broadcast %add3A_590 : i32 to vector<16xi32>
        %add3A_592 = arith.addi %get3A_546, %add3A_591 : vector<16xi32>
        %gather3A = tpu.vector_load_idx %arg12[%add3A_592] : memref<24576xf32, #tpu.memory_space<vmem>>[vector<16xi32>], vector<16xf32>,
        %add3A_593 = arith.constant 0 : i32
        %add3A_594 = arith.addi %add3A_593, %add3A_589 : i32
        %swap3A = arith.index_cast %add3A_594 : i32 to index
        %swap3A_595 = tpu.vector_load %arg15[%swap3A] {strides = array<i32>} : memref<65536xf32, #tpu.memory_space<vmem>>, vector<16xf32>,
        tpu.vector_store %arg15[%swap3A], %gather3A {strides = array<i32>} : memref<65536xf32, #tpu.memory_space<vmem>>, vector<16xf32>,
        %add3A_596 = arith.constant 1 : i32
        %add3A_597 = vector.broadcast %add3A_596 : i32 to vector<16xi32>
        %add3A_598 = arith.addi %get3A_546, %add3A_597 : vector<16xi32>
        %gather3A_599 = tpu.vector_load_idx %arg12[%add3A_598] : memref<24576xf32, #tpu.memory_space<vmem>>[vector<16xi32>], vector<16xf32>,
        %add3A_600 = arith.constant 128 : i32
        %add3A_601 = arith.addi %add3A_600, %add3A_589 : i32
        %swap3A_602 = arith.index_cast %add3A_601 : i32 to index
        %swap3A_603 = tpu.vector_load %arg15[%swap3A_602] {strides = array<i32>} : memref<65536xf32, #tpu.memory_space<vmem>>, vector<16xf32>,
        tpu.vector_store %arg15[%swap3A_602], %gather3A_599 {strides = array<i32>} : memref<65536xf32, #tpu.memory_space<vmem>>, vector<16xf32>,
        %add3A_604 = arith.constant 2 : i32
        %add3A_605 = vector.broadcast %add3A_604 : i32 to vector<16xi32>
        %add3A_606 = arith.addi %get3A_546, %add3A_605 : vector<16xi32>
        %gather3A_607 = tpu.vector_load_idx %arg12[%add3A_606] : memref<24576xf32, #tpu.memory_space<vmem>>[vector<16xi32>], vector<16xf32>,
        %add3A_608 = arith.constant 2048 : i32
        %add3A_609 = arith.addi %add3A_608, %add3A_589 : i32
        %swap3A_610 = arith.index_cast %add3A_609 : i32 to index
        %swap3A_611 = tpu.vector_load %arg15[%swap3A_610] {strides = array<i32>} : memref<65536xf32, #tpu.memory_space<vmem>>, vector<16xf32>,
        tpu.vector_store %arg15[%swap3A_610], %gather3A_607 {strides = array<i32>} : memref<65536xf32, #tpu.memory_space<vmem>>, vector<16xf32>,
        %add3A_612 = arith.constant 3 : i32
        %add3A_613 = vector.broadcast %add3A_612 : i32 to vector<16xi32>
        %add3A_614 = arith.addi %get3A_546, %add3A_613 : vector<16xi32>
        %gather3A_615 = tpu.vector_load_idx %arg12[%add3A_614] : memref<24576xf32, #tpu.memory_space<vmem>>[vector<16xi32>], vector<16xf32>,
        %add3A_616 = arith.constant 2176 : i32
        %add3A_617 = arith.addi %add3A_616, %add3A_589 : i32
        %swap3A_618 = arith.index_cast %add3A_617 : i32 to index
        %swap3A_619 = tpu.vector_load %arg15[%swap3A_618] {strides = array<i32>} : memref<65536xf32, #tpu.memory_space<vmem>>, vector<16xf32>,
        tpu.vector_store %arg15[%swap3A_618], %gather3A_615 {strides = array<i32>} : memref<65536xf32, #tpu.memory_space<vmem>>, vector<16xf32>,
        %add3A_620 = arith.constant 4 : i32
        %add3A_621 = vector.broadcast %add3A_620 : i32 to vector<16xi32>
        %add3A_622 = arith.addi %get3A_546, %add3A_621 : vector<16xi32>
        %gather3A_623 = tpu.vector_load_idx %arg12[%add3A_622] : memref<24576xf32, #tpu.memory_space<vmem>>[vector<16xi32>], vector<16xf32>,
        %add3A_624 = arith.constant 4096 : i32
        %add3A_625 = arith.addi %add3A_624, %add3A_589 : i32
        %swap3A_626 = arith.index_cast %add3A_625 : i32 to index
        %swap3A_627 = tpu.vector_load %arg15[%swap3A_626] {strides = array<i32>} : memref<65536xf32, #tpu.memory_space<vmem>>, vector<16xf32>,
        tpu.vector_store %arg15[%swap3A_626], %gather3A_623 {strides = array<i32>} : memref<65536xf32, #tpu.memory_space<vmem>>, vector<16xf32>,
        %add3A_628 = arith.constant 5 : i32
        %add3A_629 = vector.broadcast %add3A_628 : i32 to vector<16xi32>
        %add3A_630 = arith.addi %get3A_546, %add3A_629 : vector<16xi32>
        %gather3A_631 = tpu.vector_load_idx %arg12[%add3A_630] : memref<24576xf32, #tpu.memory_space<vmem>>[vector<16xi32>], vector<16xf32>,
        %add3A_632 = arith.constant 4224 : i32
        %add3A_633 = arith.addi %add3A_632, %add3A_589 : i32
        %swap3A_634 = arith.index_cast %add3A_633 : i32 to index
        %swap3A_635 = tpu.vector_load %arg15[%swap3A_634] {strides = array<i32>} : memref<65536xf32, #tpu.memory_space<vmem>>, vector<16xf32>,
        tpu.vector_store %arg15[%swap3A_634], %gather3A_631 {strides = array<i32>} : memref<65536xf32, #tpu.memory_space<vmem>>, vector<16xf32>,
        %add3A_636 = arith.constant 6 : i32
        %add3A_637 = vector.broadcast %add3A_636 : i32 to vector<16xi32>
        %add3A_638 = arith.addi %get3A_546, %add3A_637 : vector<16xi32>
        %gather3A_639 = tpu.vector_load_idx %arg12[%add3A_638] : memref<24576xf32, #tpu.memory_space<vmem>>[vector<16xi32>], vector<16xf32>,
        %add3A_640 = arith.constant 6144 : i32
        %add3A_641 = arith.addi %add3A_640, %add3A_589 : i32
        %swap3A_642 = arith.index_cast %add3A_641 : i32 to index
        %swap3A_643 = tpu.vector_load %arg15[%swap3A_642] {strides = array<i32>} : memref<65536xf32, #tpu.memory_space<vmem>>, vector<16xf32>,
        tpu.vector_store %arg15[%swap3A_642], %gather3A_639 {strides = array<i32>} : memref<65536xf32, #tpu.memory_space<vmem>>, vector<16xf32>,
        %add3A_644 = arith.constant 7 : i32
        %add3A_645 = vector.broadcast %add3A_644 : i32 to vector<16xi32>
        %add3A_646 = arith.addi %get3A_546, %add3A_645 : vector<16xi32>
        %gather3A_647 = tpu.vector_load_idx %arg12[%add3A_646] : memref<24576xf32, #tpu.memory_space<vmem>>[vector<16xi32>], vector<16xf32>,
        %add3A_648 = arith.constant 6272 : i32
        %add3A_649 = arith.addi %add3A_648, %add3A_589 : i32
        %swap3A_650 = arith.index_cast %add3A_649 : i32 to index
        %swap3A_651 = tpu.vector_load %arg15[%swap3A_650] {strides = array<i32>} : memref<65536xf32, #tpu.memory_space<vmem>>, vector<16xf32>,
        tpu.vector_store %arg15[%swap3A_650], %gather3A_647 {strides = array<i32>} : memref<65536xf32, #tpu.memory_space<vmem>>, vector<16xf32>,
        %add3A_652 = arith.constant 8 : i32
        %add3A_653 = vector.broadcast %add3A_652 : i32 to vector<16xi32>
        %add3A_654 = arith.addi %get3A_546, %add3A_653 : vector<16xi32>
        %gather3A_655 = tpu.vector_load_idx %arg12[%add3A_654] : memref<24576xf32, #tpu.memory_space<vmem>>[vector<16xi32>], vector<16xf32>,
        %add3A_656 = arith.constant 8192 : i32
        %add3A_657 = arith.addi %add3A_656, %add3A_589 : i32
        %swap3A_658 = arith.index_cast %add3A_657 : i32 to index
        %swap3A_659 = tpu.vector_load %arg15[%swap3A_658] {strides = array<i32>} : memref<65536xf32, #tpu.memory_space<vmem>>, vector<16xf32>,
        tpu.vector_store %arg15[%swap3A_658], %gather3A_655 {strides = array<i32>} : memref<65536xf32, #tpu.memory_space<vmem>>, vector<16xf32>,
        %add3A_660 = arith.constant 9 : i32
        %add3A_661 = vector.broadcast %add3A_660 : i32 to vector<16xi32>
        %add3A_662 = arith.addi %get3A_546, %add3A_661 : vector<16xi32>
        %gather3A_663 = tpu.vector_load_idx %arg12[%add3A_662] : memref<24576xf32, #tpu.memory_space<vmem>>[vector<16xi32>], vector<16xf32>,
        %add3A_664 = arith.constant 8320 : i32
        %add3A_665 = arith.addi %add3A_664, %add3A_589 : i32
        %swap3A_666 = arith.index_cast %add3A_665 : i32 to index
        %swap3A_667 = tpu.vector_load %arg15[%swap3A_666] {strides = array<i32>} : memref<65536xf32, #tpu.memory_space<vmem>>, vector<16xf32>,
        tpu.vector_store %arg15[%swap3A_666], %gather3A_663 {strides = array<i32>} : memref<65536xf32, #tpu.memory_space<vmem>>, vector<16xf32>,
        %add3A_668 = arith.constant 10 : i32
        %add3A_669 = vector.broadcast %add3A_668 : i32 to vector<16xi32>
        %add3A_670 = arith.addi %get3A_546, %add3A_669 : vector<16xi32>
        %gather3A_671 = tpu.vector_load_idx %arg12[%add3A_670] : memref<24576xf32, #tpu.memory_space<vmem>>[vector<16xi32>], vector<16xf32>,
        %add3A_672 = arith.constant 10240 : i32
        %add3A_673 = arith.addi %add3A_672, %add3A_589 : i32
        %swap3A_674 = arith.index_cast %add3A_673 : i32 to index
        %swap3A_675 = tpu.vector_load %arg15[%swap3A_674] {strides = array<i32>} : memref<65536xf32, #tpu.memory_space<vmem>>, vector<16xf32>,
        tpu.vector_store %arg15[%swap3A_674], %gather3A_671 {strides = array<i32>} : memref<65536xf32, #tpu.memory_space<vmem>>, vector<16xf32>,
        %add3A_676 = arith.constant 11 : i32
        %add3A_677 = vector.broadcast %add3A_676 : i32 to vector<16xi32>
        %add3A_678 = arith.addi %get3A_546, %add3A_677 : vector<16xi32>
        %gather3A_679 = tpu.vector_load_idx %arg12[%add3A_678] : memref<24576xf32, #tpu.memory_space<vmem>>[vector<16xi32>], vector<16xf32>,
        %add3A_680 = arith.constant 10368 : i32
        %add3A_681 = arith.addi %add3A_680, %add3A_589 : i32
        %swap3A_682 = arith.index_cast %add3A_681 : i32 to index
        %swap3A_683 = tpu.vector_load %arg15[%swap3A_682] {strides = array<i32>} : memref<65536xf32, #tpu.memory_space<vmem>>, vector<16xf32>,
        tpu.vector_store %arg15[%swap3A_682], %gather3A_679 {strides = array<i32>} : memref<65536xf32, #tpu.memory_space<vmem>>, vector<16xf32>,
        %add3A_684 = arith.constant 12 : i32
        %add3A_685 = vector.broadcast %add3A_684 : i32 to vector<16xi32>
        %add3A_686 = arith.addi %get3A_546, %add3A_685 : vector<16xi32>
        %gather3A_687 = tpu.vector_load_idx %arg12[%add3A_686] : memref<24576xf32, #tpu.memory_space<vmem>>[vector<16xi32>], vector<16xf32>,
        %add3A_688 = arith.constant 12288 : i32
        %add3A_689 = arith.addi %add3A_688, %add3A_589 : i32
        %swap3A_690 = arith.index_cast %add3A_689 : i32 to index
        %swap3A_691 = tpu.vector_load %arg15[%swap3A_690] {strides = array<i32>} : memref<65536xf32, #tpu.memory_space<vmem>>, vector<16xf32>,
        tpu.vector_store %arg15[%swap3A_690], %gather3A_687 {strides = array<i32>} : memref<65536xf32, #tpu.memory_space<vmem>>, vector<16xf32>,
        %add3A_692 = arith.constant 13 : i32
        %add3A_693 = vector.broadcast %add3A_692 : i32 to vector<16xi32>
        %add3A_694 = arith.addi %get3A_546, %add3A_693 : vector<16xi32>
        %gather3A_695 = tpu.vector_load_idx %arg12[%add3A_694] : memref<24576xf32, #tpu.memory_space<vmem>>[vector<16xi32>], vector<16xf32>,
        %add3A_696 = arith.constant 12416 : i32
        %add3A_697 = arith.addi %add3A_696, %add3A_589 : i32
        %swap3A_698 = arith.index_cast %add3A_697 : i32 to index
        %swap3A_699 = tpu.vector_load %arg15[%swap3A_698] {strides = array<i32>} : memref<65536xf32, #tpu.memory_space<vmem>>, vector<16xf32>,
        tpu.vector_store %arg15[%swap3A_698], %gather3A_695 {strides = array<i32>} : memref<65536xf32, #tpu.memory_space<vmem>>, vector<16xf32>,
        %add3A_700 = arith.constant 14 : i32
        %add3A_701 = vector.broadcast %add3A_700 : i32 to vector<16xi32>
        %add3A_702 = arith.addi %get3A_546, %add3A_701 : vector<16xi32>
        %gather3A_703 = tpu.vector_load_idx %arg12[%add3A_702] : memref<24576xf32, #tpu.memory_space<vmem>>[vector<16xi32>], vector<16xf32>,
        %add3A_704 = arith.constant 14336 : i32
        %add3A_705 = arith.addi %add3A_704, %add3A_589 : i32
        %swap3A_706 = arith.index_cast %add3A_705 : i32 to index
        %swap3A_707 = tpu.vector_load %arg15[%swap3A_706] {strides = array<i32>} : memref<65536xf32, #tpu.memory_space<vmem>>, vector<16xf32>,
        tpu.vector_store %arg15[%swap3A_706], %gather3A_703 {strides = array<i32>} : memref<65536xf32, #tpu.memory_space<vmem>>, vector<16xf32>,
        %add3A_708 = arith.constant 15 : i32
        %add3A_709 = vector.broadcast %add3A_708 : i32 to vector<16xi32>
        %add3A_710 = arith.addi %get3A_546, %add3A_709 : vector<16xi32>
        %gather3A_711 = tpu.vector_load_idx %arg12[%add3A_710] : memref<24576xf32, #tpu.memory_space<vmem>>[vector<16xi32>], vector<16xf32>,
        %add3A_712 = arith.constant 14464 : i32
        %add3A_713 = arith.addi %add3A_712, %add3A_589 : i32
        %swap3A_714 = arith.index_cast %add3A_713 : i32 to index
        %swap3A_715 = tpu.vector_load %arg15[%swap3A_714] {strides = array<i32>} : memref<65536xf32, #tpu.memory_space<vmem>>, vector<16xf32>,
        tpu.vector_store %arg15[%swap3A_714], %gather3A_711 {strides = array<i32>} : memref<65536xf32, #tpu.memory_space<vmem>>, vector<16xf32>,
        %add3A_716 = arith.constant 16 : i32
        %add3A_717 = vector.broadcast %add3A_716 : i32 to vector<16xi32>
        %add3A_718 = arith.addi %get3A_546, %add3A_717 : vector<16xi32>
        %gather3A_719 = tpu.vector_load_idx %arg12[%add3A_718] : memref<24576xf32, #tpu.memory_space<vmem>>[vector<16xi32>], vector<16xf32>,
        %add3A_720 = arith.constant 16384 : i32
        %add3A_721 = arith.addi %add3A_720, %add3A_589 : i32
        %swap3A_722 = arith.index_cast %add3A_721 : i32 to index
        %swap3A_723 = tpu.vector_load %arg15[%swap3A_722] {strides = array<i32>} : memref<65536xf32, #tpu.memory_space<vmem>>, vector<16xf32>,
        tpu.vector_store %arg15[%swap3A_722], %gather3A_719 {strides = array<i32>} : memref<65536xf32, #tpu.memory_space<vmem>>, vector<16xf32>,
        %add3A_724 = arith.constant 17 : i32
        %add3A_725 = vector.broadcast %add3A_724 : i32 to vector<16xi32>
        %add3A_726 = arith.addi %get3A_546, %add3A_725 : vector<16xi32>
        %gather3A_727 = tpu.vector_load_idx %arg12[%add3A_726] : memref<24576xf32, #tpu.memory_space<vmem>>[vector<16xi32>], vector<16xf32>,
        %add3A_728 = arith.constant 16512 : i32
        %add3A_729 = arith.addi %add3A_728, %add3A_589 : i32
        %swap3A_730 = arith.index_cast %add3A_729 : i32 to index
        %swap3A_731 = tpu.vector_load %arg15[%swap3A_730] {strides = array<i32>} : memref<65536xf32, #tpu.memory_space<vmem>>, vector<16xf32>,
        tpu.vector_store %arg15[%swap3A_730], %gather3A_727 {strides = array<i32>} : memref<65536xf32, #tpu.memory_space<vmem>>, vector<16xf32>,
        %add3A_732 = arith.constant 18 : i32
        %add3A_733 = vector.broadcast %add3A_732 : i32 to vector<16xi32>
        %add3A_734 = arith.addi %get3A_546, %add3A_733 : vector<16xi32>
        %gather3A_735 = tpu.vector_load_idx %arg12[%add3A_734] : memref<24576xf32, #tpu.memory_space<vmem>>[vector<16xi32>], vector<16xf32>,
        %add3A_736 = arith.constant 18432 : i32
        %add3A_737 = arith.addi %add3A_736, %add3A_589 : i32
        %swap3A_738 = arith.index_cast %add3A_737 : i32 to index
        %swap3A_739 = tpu.vector_load %arg15[%swap3A_738] {strides = array<i32>} : memref<65536xf32, #tpu.memory_space<vmem>>, vector<16xf32>,
        tpu.vector_store %arg15[%swap3A_738], %gather3A_735 {strides = array<i32>} : memref<65536xf32, #tpu.memory_space<vmem>>, vector<16xf32>,
        %add3A_740 = arith.constant 19 : i32
        %add3A_741 = vector.broadcast %add3A_740 : i32 to vector<16xi32>
        %add3A_742 = arith.addi %get3A_546, %add3A_741 : vector<16xi32>
        %gather3A_743 = tpu.vector_load_idx %arg12[%add3A_742] : memref<24576xf32, #tpu.memory_space<vmem>>[vector<16xi32>], vector<16xf32>,
        %add3A_744 = arith.constant 18560 : i32
        %add3A_745 = arith.addi %add3A_744, %add3A_589 : i32
        %swap3A_746 = arith.index_cast %add3A_745 : i32 to index
        %swap3A_747 = tpu.vector_load %arg15[%swap3A_746] {strides = array<i32>} : memref<65536xf32, #tpu.memory_space<vmem>>, vector<16xf32>,
        tpu.vector_store %arg15[%swap3A_746], %gather3A_743 {strides = array<i32>} : memref<65536xf32, #tpu.memory_space<vmem>>, vector<16xf32>,
        %add3A_748 = arith.constant 20 : i32
        %add3A_749 = vector.broadcast %add3A_748 : i32 to vector<16xi32>
        %add3A_750 = arith.addi %get3A_546, %add3A_749 : vector<16xi32>
        %gather3A_751 = tpu.vector_load_idx %arg12[%add3A_750] : memref<24576xf32, #tpu.memory_space<vmem>>[vector<16xi32>], vector<16xf32>,
        %add3A_752 = arith.constant 20480 : i32
        %add3A_753 = arith.addi %add3A_752, %add3A_589 : i32
        %swap3A_754 = arith.index_cast %add3A_753 : i32 to index
        %swap3A_755 = tpu.vector_load %arg15[%swap3A_754] {strides = array<i32>} : memref<65536xf32, #tpu.memory_space<vmem>>, vector<16xf32>,
        tpu.vector_store %arg15[%swap3A_754], %gather3A_751 {strides = array<i32>} : memref<65536xf32, #tpu.memory_space<vmem>>, vector<16xf32>,
        %add3A_756 = arith.constant 21 : i32
        %add3A_757 = vector.broadcast %add3A_756 : i32 to vector<16xi32>
        %add3A_758 = arith.addi %get3A_546, %add3A_757 : vector<16xi32>
        %gather3A_759 = tpu.vector_load_idx %arg12[%add3A_758] : memref<24576xf32, #tpu.memory_space<vmem>>[vector<16xi32>], vector<16xf32>,
        %add3A_760 = arith.constant 20608 : i32
        %add3A_761 = arith.addi %add3A_760, %add3A_589 : i32
        %swap3A_762 = arith.index_cast %add3A_761 : i32 to index
        %swap3A_763 = tpu.vector_load %arg15[%swap3A_762] {strides = array<i32>} : memref<65536xf32, #tpu.memory_space<vmem>>, vector<16xf32>,
        tpu.vector_store %arg15[%swap3A_762], %gather3A_759 {strides = array<i32>} : memref<65536xf32, #tpu.memory_space<vmem>>, vector<16xf32>,
        %add3A_764 = arith.constant 22 : i32
        %add3A_765 = vector.broadcast %add3A_764 : i32 to vector<16xi32>
        %add3A_766 = arith.addi %get3A_546, %add3A_765 : vector<16xi32>
        %gather3A_767 = tpu.vector_load_idx %arg12[%add3A_766] : memref<24576xf32, #tpu.memory_space<vmem>>[vector<16xi32>], vector<16xf32>,
        %add3A_768 = arith.constant 22528 : i32
        %add3A_769 = arith.addi %add3A_768, %add3A_589 : i32
        %swap3A_770 = arith.index_cast %add3A_769 : i32 to index
        %swap3A_771 = tpu.vector_load %arg15[%swap3A_770] {strides = array<i32>} : memref<65536xf32, #tpu.memory_space<vmem>>, vector<16xf32>,
        tpu.vector_store %arg15[%swap3A_770], %gather3A_767 {strides = array<i32>} : memref<65536xf32, #tpu.memory_space<vmem>>, vector<16xf32>,
        %add3A_772 = arith.constant 23 : i32
        %add3A_773 = vector.broadcast %add3A_772 : i32 to vector<16xi32>
        %add3A_774 = arith.addi %get3A_546, %add3A_773 : vector<16xi32>
        %gather3A_775 = tpu.vector_load_idx %arg12[%add3A_774] : memref<24576xf32, #tpu.memory_space<vmem>>[vector<16xi32>], vector<16xf32>,
        %add3A_776 = arith.constant 22656 : i32
        %add3A_777 = arith.addi %add3A_776, %add3A_589 : i32
        %swap3A_778 = arith.index_cast %add3A_777 : i32 to index
        %swap3A_779 = tpu.vector_load %arg15[%swap3A_778] {strides = array<i32>} : memref<65536xf32, #tpu.memory_space<vmem>>, vector<16xf32>,
        tpu.vector_store %arg15[%swap3A_778], %gather3A_775 {strides = array<i32>} : memref<65536xf32, #tpu.memory_space<vmem>>, vector<16xf32>,
        %add3A_780 = arith.constant 0 : i32
        %add3A_781 = vector.broadcast %add3A_780 : i32 to vector<16xi32>
        %add3A_782 = arith.addi %get3A_550, %add3A_781 : vector<16xi32>
        %gather3A_783 = tpu.vector_load_idx %arg13[%add3A_782] : memref<24576xf32, #tpu.memory_space<vmem>>[vector<16xi32>], vector<16xf32>,
        %add3A_784 = arith.constant 24576 : i32
        %add3A_785 = arith.addi %add3A_784, %add3A_589 : i32
        %swap3A_786 = arith.index_cast %add3A_785 : i32 to index
        %swap3A_787 = tpu.vector_load %arg15[%swap3A_786] {strides = array<i32>} : memref<65536xf32, #tpu.memory_space<vmem>>, vector<16xf32>,
        tpu.vector_store %arg15[%swap3A_786], %gather3A_783 {strides = array<i32>} : memref<65536xf32, #tpu.memory_space<vmem>>, vector<16xf32>,
        %add3A_788 = arith.constant 1 : i32
        %add3A_789 = vector.broadcast %add3A_788 : i32 to vector<16xi32>
        %add3A_790 = arith.addi %get3A_550, %add3A_789 : vector<16xi32>
        %gather3A_791 = tpu.vector_load_idx %arg13[%add3A_790] : memref<24576xf32, #tpu.memory_space<vmem>>[vector<16xi32>], vector<16xf32>,
        %add3A_792 = arith.constant 24704 : i32
        %add3A_793 = arith.addi %add3A_792, %add3A_589 : i32
        %swap3A_794 = arith.index_cast %add3A_793 : i32 to index
        %swap3A_795 = tpu.vector_load %arg15[%swap3A_794] {strides = array<i32>} : memref<65536xf32, #tpu.memory_space<vmem>>, vector<16xf32>,
        tpu.vector_store %arg15[%swap3A_794], %gather3A_791 {strides = array<i32>} : memref<65536xf32, #tpu.memory_space<vmem>>, vector<16xf32>,
        %add3A_796 = arith.constant 2 : i32
        %add3A_797 = vector.broadcast %add3A_796 : i32 to vector<16xi32>
        %add3A_798 = arith.addi %get3A_550, %add3A_797 : vector<16xi32>
        %gather3A_799 = tpu.vector_load_idx %arg13[%add3A_798] : memref<24576xf32, #tpu.memory_space<vmem>>[vector<16xi32>], vector<16xf32>,
        %add3A_800 = arith.constant 26624 : i32
        %add3A_801 = arith.addi %add3A_800, %add3A_589 : i32
        %swap3A_802 = arith.index_cast %add3A_801 : i32 to index
        %swap3A_803 = tpu.vector_load %arg15[%swap3A_802] {strides = array<i32>} : memref<65536xf32, #tpu.memory_space<vmem>>, vector<16xf32>,
        tpu.vector_store %arg15[%swap3A_802], %gather3A_799 {strides = array<i32>} : memref<65536xf32, #tpu.memory_space<vmem>>, vector<16xf32>,
        %add3A_804 = arith.constant 3 : i32
        %add3A_805 = vector.broadcast %add3A_804 : i32 to vector<16xi32>
        %add3A_806 = arith.addi %get3A_550, %add3A_805 : vector<16xi32>
        %gather3A_807 = tpu.vector_load_idx %arg13[%add3A_806] : memref<24576xf32, #tpu.memory_space<vmem>>[vector<16xi32>], vector<16xf32>,
        %add3A_808 = arith.constant 26752 : i32
        %add3A_809 = arith.addi %add3A_808, %add3A_589 : i32
        %swap3A_810 = arith.index_cast %add3A_809 : i32 to index
        %swap3A_811 = tpu.vector_load %arg15[%swap3A_810] {strides = array<i32>} : memref<65536xf32, #tpu.memory_space<vmem>>, vector<16xf32>,
        tpu.vector_store %arg15[%swap3A_810], %gather3A_807 {strides = array<i32>} : memref<65536xf32, #tpu.memory_space<vmem>>, vector<16xf32>,
        %add3A_812 = arith.constant 4 : i32
        %add3A_813 = vector.broadcast %add3A_812 : i32 to vector<16xi32>
        %add3A_814 = arith.addi %get3A_550, %add3A_813 : vector<16xi32>
        %gather3A_815 = tpu.vector_load_idx %arg13[%add3A_814] : memref<24576xf32, #tpu.memory_space<vmem>>[vector<16xi32>], vector<16xf32>,
        %add3A_816 = arith.constant 28672 : i32
        %add3A_817 = arith.addi %add3A_816, %add3A_589 : i32
        %swap3A_818 = arith.index_cast %add3A_817 : i32 to index
        %swap3A_819 = tpu.vector_load %arg15[%swap3A_818] {strides = array<i32>} : memref<65536xf32, #tpu.memory_space<vmem>>, vector<16xf32>,
        tpu.vector_store %arg15[%swap3A_818], %gather3A_815 {strides = array<i32>} : memref<65536xf32, #tpu.memory_space<vmem>>, vector<16xf32>,
        %add3A_820 = arith.constant 5 : i32
        %add3A_821 = vector.broadcast %add3A_820 : i32 to vector<16xi32>
        %add3A_822 = arith.addi %get3A_550, %add3A_821 : vector<16xi32>
        %gather3A_823 = tpu.vector_load_idx %arg13[%add3A_822] : memref<24576xf32, #tpu.memory_space<vmem>>[vector<16xi32>], vector<16xf32>,
        %add3A_824 = arith.constant 28800 : i32
        %add3A_825 = arith.addi %add3A_824, %add3A_589 : i32
        %swap3A_826 = arith.index_cast %add3A_825 : i32 to index
        %swap3A_827 = tpu.vector_load %arg15[%swap3A_826] {strides = array<i32>} : memref<65536xf32, #tpu.memory_space<vmem>>, vector<16xf32>,
        tpu.vector_store %arg15[%swap3A_826], %gather3A_823 {strides = array<i32>} : memref<65536xf32, #tpu.memory_space<vmem>>, vector<16xf32>,
        %add3A_828 = arith.constant 6 : i32
        %add3A_829 = vector.broadcast %add3A_828 : i32 to vector<16xi32>
        %add3A_830 = arith.addi %get3A_550, %add3A_829 : vector<16xi32>
        %gather3A_831 = tpu.vector_load_idx %arg13[%add3A_830] : memref<24576xf32, #tpu.memory_space<vmem>>[vector<16xi32>], vector<16xf32>,
        %add3A_832 = arith.constant 30720 : i32
        %add3A_833 = arith.addi %add3A_832, %add3A_589 : i32
        %swap3A_834 = arith.index_cast %add3A_833 : i32 to index
        %swap3A_835 = tpu.vector_load %arg15[%swap3A_834] {strides = array<i32>} : memref<65536xf32, #tpu.memory_space<vmem>>, vector<16xf32>,
        tpu.vector_store %arg15[%swap3A_834], %gather3A_831 {strides = array<i32>} : memref<65536xf32, #tpu.memory_space<vmem>>, vector<16xf32>,
        %add3A_836 = arith.constant 7 : i32
        %add3A_837 = vector.broadcast %add3A_836 : i32 to vector<16xi32>
        %add3A_838 = arith.addi %get3A_550, %add3A_837 : vector<16xi32>
        %gather3A_839 = tpu.vector_load_idx %arg13[%add3A_838] : memref<24576xf32, #tpu.memory_space<vmem>>[vector<16xi32>], vector<16xf32>,
        %add3A_840 = arith.constant 30848 : i32
        %add3A_841 = arith.addi %add3A_840, %add3A_589 : i32
        %swap3A_842 = arith.index_cast %add3A_841 : i32 to index
        %swap3A_843 = tpu.vector_load %arg15[%swap3A_842] {strides = array<i32>} : memref<65536xf32, #tpu.memory_space<vmem>>, vector<16xf32>,
        tpu.vector_store %arg15[%swap3A_842], %gather3A_839 {strides = array<i32>} : memref<65536xf32, #tpu.memory_space<vmem>>, vector<16xf32>,
        %add3A_844 = arith.constant 8 : i32
        %add3A_845 = vector.broadcast %add3A_844 : i32 to vector<16xi32>
        %add3A_846 = arith.addi %get3A_550, %add3A_845 : vector<16xi32>
        %gather3A_847 = tpu.vector_load_idx %arg13[%add3A_846] : memref<24576xf32, #tpu.memory_space<vmem>>[vector<16xi32>], vector<16xf32>,
        %add3A_848 = arith.constant 32768 : i32
        %add3A_849 = arith.addi %add3A_848, %add3A_589 : i32
        %swap3A_850 = arith.index_cast %add3A_849 : i32 to index
        %swap3A_851 = tpu.vector_load %arg15[%swap3A_850] {strides = array<i32>} : memref<65536xf32, #tpu.memory_space<vmem>>, vector<16xf32>,
        tpu.vector_store %arg15[%swap3A_850], %gather3A_847 {strides = array<i32>} : memref<65536xf32, #tpu.memory_space<vmem>>, vector<16xf32>,
        %add3A_852 = arith.constant 9 : i32
        %add3A_853 = vector.broadcast %add3A_852 : i32 to vector<16xi32>
        %add3A_854 = arith.addi %get3A_550, %add3A_853 : vector<16xi32>
        %gather3A_855 = tpu.vector_load_idx %arg13[%add3A_854] : memref<24576xf32, #tpu.memory_space<vmem>>[vector<16xi32>], vector<16xf32>,
        %add3A_856 = arith.constant 32896 : i32
        %add3A_857 = arith.addi %add3A_856, %add3A_589 : i32
        %swap3A_858 = arith.index_cast %add3A_857 : i32 to index
        %swap3A_859 = tpu.vector_load %arg15[%swap3A_858] {strides = array<i32>} : memref<65536xf32, #tpu.memory_space<vmem>>, vector<16xf32>,
        tpu.vector_store %arg15[%swap3A_858], %gather3A_855 {strides = array<i32>} : memref<65536xf32, #tpu.memory_space<vmem>>, vector<16xf32>,
        %add3A_860 = arith.constant 10 : i32
        %add3A_861 = vector.broadcast %add3A_860 : i32 to vector<16xi32>
        %add3A_862 = arith.addi %get3A_550, %add3A_861 : vector<16xi32>
        %gather3A_863 = tpu.vector_load_idx %arg13[%add3A_862] : memref<24576xf32, #tpu.memory_space<vmem>>[vector<16xi32>], vector<16xf32>,
        %add3A_864 = arith.constant 34816 : i32
        %add3A_865 = arith.addi %add3A_864, %add3A_589 : i32
        %swap3A_866 = arith.index_cast %add3A_865 : i32 to index
        %swap3A_867 = tpu.vector_load %arg15[%swap3A_866] {strides = array<i32>} : memref<65536xf32, #tpu.memory_space<vmem>>, vector<16xf32>,
        tpu.vector_store %arg15[%swap3A_866], %gather3A_863 {strides = array<i32>} : memref<65536xf32, #tpu.memory_space<vmem>>, vector<16xf32>,
        %add3A_868 = arith.constant 11 : i32
        %add3A_869 = vector.broadcast %add3A_868 : i32 to vector<16xi32>
        %add3A_870 = arith.addi %get3A_550, %add3A_869 : vector<16xi32>
        %gather3A_871 = tpu.vector_load_idx %arg13[%add3A_870] : memref<24576xf32, #tpu.memory_space<vmem>>[vector<16xi32>], vector<16xf32>,
        %add3A_872 = arith.constant 34944 : i32
        %add3A_873 = arith.addi %add3A_872, %add3A_589 : i32
        %swap3A_874 = arith.index_cast %add3A_873 : i32 to index
        %swap3A_875 = tpu.vector_load %arg15[%swap3A_874] {strides = array<i32>} : memref<65536xf32, #tpu.memory_space<vmem>>, vector<16xf32>,
        tpu.vector_store %arg15[%swap3A_874], %gather3A_871 {strides = array<i32>} : memref<65536xf32, #tpu.memory_space<vmem>>, vector<16xf32>,
        %add3A_876 = arith.constant 12 : i32
        %add3A_877 = vector.broadcast %add3A_876 : i32 to vector<16xi32>
        %add3A_878 = arith.addi %get3A_550, %add3A_877 : vector<16xi32>
        %gather3A_879 = tpu.vector_load_idx %arg13[%add3A_878] : memref<24576xf32, #tpu.memory_space<vmem>>[vector<16xi32>], vector<16xf32>,
        %add3A_880 = arith.constant 36864 : i32
        %add3A_881 = arith.addi %add3A_880, %add3A_589 : i32
        %swap3A_882 = arith.index_cast %add3A_881 : i32 to index
        %swap3A_883 = tpu.vector_load %arg15[%swap3A_882] {strides = array<i32>} : memref<65536xf32, #tpu.memory_space<vmem>>, vector<16xf32>,
        tpu.vector_store %arg15[%swap3A_882], %gather3A_879 {strides = array<i32>} : memref<65536xf32, #tpu.memory_space<vmem>>, vector<16xf32>,
        %add3A_884 = arith.constant 13 : i32
        %add3A_885 = vector.broadcast %add3A_884 : i32 to vector<16xi32>
        %add3A_886 = arith.addi %get3A_550, %add3A_885 : vector<16xi32>
        %gather3A_887 = tpu.vector_load_idx %arg13[%add3A_886] : memref<24576xf32, #tpu.memory_space<vmem>>[vector<16xi32>], vector<16xf32>,
        %add3A_888 = arith.constant 36992 : i32
        %add3A_889 = arith.addi %add3A_888, %add3A_589 : i32
        %swap3A_890 = arith.index_cast %add3A_889 : i32 to index
        %swap3A_891 = tpu.vector_load %arg15[%swap3A_890] {strides = array<i32>} : memref<65536xf32, #tpu.memory_space<vmem>>, vector<16xf32>,
        tpu.vector_store %arg15[%swap3A_890], %gather3A_887 {strides = array<i32>} : memref<65536xf32, #tpu.memory_space<vmem>>, vector<16xf32>,
        %add3A_892 = arith.constant 14 : i32
        %add3A_893 = vector.broadcast %add3A_892 : i32 to vector<16xi32>
        %add3A_894 = arith.addi %get3A_550, %add3A_893 : vector<16xi32>
        %gather3A_895 = tpu.vector_load_idx %arg13[%add3A_894] : memref<24576xf32, #tpu.memory_space<vmem>>[vector<16xi32>], vector<16xf32>,
        %add3A_896 = arith.constant 38912 : i32
        %add3A_897 = arith.addi %add3A_896, %add3A_589 : i32
        %swap3A_898 = arith.index_cast %add3A_897 : i32 to index
        %swap3A_899 = tpu.vector_load %arg15[%swap3A_898] {strides = array<i32>} : memref<65536xf32, #tpu.memory_space<vmem>>, vector<16xf32>,
        tpu.vector_store %arg15[%swap3A_898], %gather3A_895 {strides = array<i32>} : memref<65536xf32, #tpu.memory_space<vmem>>, vector<16xf32>,
        %add3A_900 = arith.constant 15 : i32
        %add3A_901 = vector.broadcast %add3A_900 : i32 to vector<16xi32>
        %add3A_902 = arith.addi %get3A_550, %add3A_901 : vector<16xi32>
        %gather3A_903 = tpu.vector_load_idx %arg13[%add3A_902] : memref<24576xf32, #tpu.memory_space<vmem>>[vector<16xi32>], vector<16xf32>,
        %add3A_904 = arith.constant 39040 : i32
        %add3A_905 = arith.addi %add3A_904, %add3A_589 : i32
        %swap3A_906 = arith.index_cast %add3A_905 : i32 to index
        %swap3A_907 = tpu.vector_load %arg15[%swap3A_906] {strides = array<i32>} : memref<65536xf32, #tpu.memory_space<vmem>>, vector<16xf32>,
        tpu.vector_store %arg15[%swap3A_906], %gather3A_903 {strides = array<i32>} : memref<65536xf32, #tpu.memory_space<vmem>>, vector<16xf32>,
        %add3A_908 = arith.constant 16 : i32
        %add3A_909 = vector.broadcast %add3A_908 : i32 to vector<16xi32>
        %add3A_910 = arith.addi %get3A_550, %add3A_909 : vector<16xi32>
        %gather3A_911 = tpu.vector_load_idx %arg13[%add3A_910] : memref<24576xf32, #tpu.memory_space<vmem>>[vector<16xi32>], vector<16xf32>,
        %add3A_912 = arith.constant 40960 : i32
        %add3A_913 = arith.addi %add3A_912, %add3A_589 : i32
        %swap3A_914 = arith.index_cast %add3A_913 : i32 to index
        %swap3A_915 = tpu.vector_load %arg15[%swap3A_914] {strides = array<i32>} : memref<65536xf32, #tpu.memory_space<vmem>>, vector<16xf32>,
        tpu.vector_store %arg15[%swap3A_914], %gather3A_911 {strides = array<i32>} : memref<65536xf32, #tpu.memory_space<vmem>>, vector<16xf32>,
        %add3A_916 = arith.constant 17 : i32
        %add3A_917 = vector.broadcast %add3A_916 : i32 to vector<16xi32>
        %add3A_918 = arith.addi %get3A_550, %add3A_917 : vector<16xi32>
        %gather3A_919 = tpu.vector_load_idx %arg13[%add3A_918] : memref<24576xf32, #tpu.memory_space<vmem>>[vector<16xi32>], vector<16xf32>,
        %add3A_920 = arith.constant 41088 : i32
        %add3A_921 = arith.addi %add3A_920, %add3A_589 : i32
        %swap3A_922 = arith.index_cast %add3A_921 : i32 to index
        %swap3A_923 = tpu.vector_load %arg15[%swap3A_922] {strides = array<i32>} : memref<65536xf32, #tpu.memory_space<vmem>>, vector<16xf32>,
        tpu.vector_store %arg15[%swap3A_922], %gather3A_919 {strides = array<i32>} : memref<65536xf32, #tpu.memory_space<vmem>>, vector<16xf32>,
        %add3A_924 = arith.constant 18 : i32
        %add3A_925 = vector.broadcast %add3A_924 : i32 to vector<16xi32>
        %add3A_926 = arith.addi %get3A_550, %add3A_925 : vector<16xi32>
        %gather3A_927 = tpu.vector_load_idx %arg13[%add3A_926] : memref<24576xf32, #tpu.memory_space<vmem>>[vector<16xi32>], vector<16xf32>,
        %add3A_928 = arith.constant 43008 : i32
        %add3A_929 = arith.addi %add3A_928, %add3A_589 : i32
        %swap3A_930 = arith.index_cast %add3A_929 : i32 to index
        %swap3A_931 = tpu.vector_load %arg15[%swap3A_930] {strides = array<i32>} : memref<65536xf32, #tpu.memory_space<vmem>>, vector<16xf32>,
        tpu.vector_store %arg15[%swap3A_930], %gather3A_927 {strides = array<i32>} : memref<65536xf32, #tpu.memory_space<vmem>>, vector<16xf32>,
        %add3A_932 = arith.constant 19 : i32
        %add3A_933 = vector.broadcast %add3A_932 : i32 to vector<16xi32>
        %add3A_934 = arith.addi %get3A_550, %add3A_933 : vector<16xi32>
        %gather3A_935 = tpu.vector_load_idx %arg13[%add3A_934] : memref<24576xf32, #tpu.memory_space<vmem>>[vector<16xi32>], vector<16xf32>,
        %add3A_936 = arith.constant 43136 : i32
        %add3A_937 = arith.addi %add3A_936, %add3A_589 : i32
        %swap3A_938 = arith.index_cast %add3A_937 : i32 to index
        %swap3A_939 = tpu.vector_load %arg15[%swap3A_938] {strides = array<i32>} : memref<65536xf32, #tpu.memory_space<vmem>>, vector<16xf32>,
        tpu.vector_store %arg15[%swap3A_938], %gather3A_935 {strides = array<i32>} : memref<65536xf32, #tpu.memory_space<vmem>>, vector<16xf32>,
        %add3A_940 = arith.constant 20 : i32
        %add3A_941 = vector.broadcast %add3A_940 : i32 to vector<16xi32>
        %add3A_942 = arith.addi %get3A_550, %add3A_941 : vector<16xi32>
        %gather3A_943 = tpu.vector_load_idx %arg13[%add3A_942] : memref<24576xf32, #tpu.memory_space<vmem>>[vector<16xi32>], vector<16xf32>,
        %add3A_944 = arith.constant 45056 : i32
        %add3A_945 = arith.addi %add3A_944, %add3A_589 : i32
        %swap3A_946 = arith.index_cast %add3A_945 : i32 to index
        %swap3A_947 = tpu.vector_load %arg15[%swap3A_946] {strides = array<i32>} : memref<65536xf32, #tpu.memory_space<vmem>>, vector<16xf32>,
        tpu.vector_store %arg15[%swap3A_946], %gather3A_943 {strides = array<i32>} : memref<65536xf32, #tpu.memory_space<vmem>>, vector<16xf32>,
        %add3A_948 = arith.constant 21 : i32
        %add3A_949 = vector.broadcast %add3A_948 : i32 to vector<16xi32>
        %add3A_950 = arith.addi %get3A_550, %add3A_949 : vector<16xi32>
        %gather3A_951 = tpu.vector_load_idx %arg13[%add3A_950] : memref<24576xf32, #tpu.memory_space<vmem>>[vector<16xi32>], vector<16xf32>,
        %add3A_952 = arith.constant 45184 : i32
        %add3A_953 = arith.addi %add3A_952, %add3A_589 : i32
        %swap3A_954 = arith.index_cast %add3A_953 : i32 to index
        %swap3A_955 = tpu.vector_load %arg15[%swap3A_954] {strides = array<i32>} : memref<65536xf32, #tpu.memory_space<vmem>>, vector<16xf32>,
        tpu.vector_store %arg15[%swap3A_954], %gather3A_951 {strides = array<i32>} : memref<65536xf32, #tpu.memory_space<vmem>>, vector<16xf32>,
        %add3A_956 = arith.constant 22 : i32
        %add3A_957 = vector.broadcast %add3A_956 : i32 to vector<16xi32>
        %add3A_958 = arith.addi %get3A_550, %add3A_957 : vector<16xi32>
        %gather3A_959 = tpu.vector_load_idx %arg13[%add3A_958] : memref<24576xf32, #tpu.memory_space<vmem>>[vector<16xi32>], vector<16xf32>,
        %add3A_960 = arith.constant 47104 : i32
        %add3A_961 = arith.addi %add3A_960, %add3A_589 : i32
        %swap3A_962 = arith.index_cast %add3A_961 : i32 to index
        %swap3A_963 = tpu.vector_load %arg15[%swap3A_962] {strides = array<i32>} : memref<65536xf32, #tpu.memory_space<vmem>>, vector<16xf32>,
        tpu.vector_store %arg15[%swap3A_962], %gather3A_959 {strides = array<i32>} : memref<65536xf32, #tpu.memory_space<vmem>>, vector<16xf32>,
        %add3A_964 = arith.constant 23 : i32
        %add3A_965 = vector.broadcast %add3A_964 : i32 to vector<16xi32>
        %add3A_966 = arith.addi %get3A_550, %add3A_965 : vector<16xi32>
        %gather3A_967 = tpu.vector_load_idx %arg13[%add3A_966] : memref<24576xf32, #tpu.memory_space<vmem>>[vector<16xi32>], vector<16xf32>,
        %add3A_968 = arith.constant 47232 : i32
        %add3A_969 = arith.addi %add3A_968, %add3A_589 : i32
        %swap3A_970 = arith.index_cast %add3A_969 : i32 to index
        %swap3A_971 = tpu.vector_load %arg15[%swap3A_970] {strides = array<i32>} : memref<65536xf32, #tpu.memory_space<vmem>>, vector<16xf32>,
        tpu.vector_store %arg15[%swap3A_970], %gather3A_967 {strides = array<i32>} : memref<65536xf32, #tpu.memory_space<vmem>>, vector<16xf32>,
        %add3A_972 = arith.constant 0 : i32
        %add3A_973 = vector.broadcast %add3A_972 : i32 to vector<16xi32>
        %add3A_974 = arith.addi %get3A_554, %add3A_973 : vector<16xi32>
        %gather3A_975 = tpu.vector_load_idx %arg14[%add3A_974] : memref<8192xf32, #tpu.memory_space<vmem>>[vector<16xi32>], vector<16xf32>,
        %add3A_976 = arith.constant 49152 : i32
        %add3A_977 = arith.addi %add3A_976, %add3A_589 : i32
        %swap3A_978 = arith.index_cast %add3A_977 : i32 to index
        %swap3A_979 = tpu.vector_load %arg15[%swap3A_978] {strides = array<i32>} : memref<65536xf32, #tpu.memory_space<vmem>>, vector<16xf32>,
        tpu.vector_store %arg15[%swap3A_978], %gather3A_975 {strides = array<i32>} : memref<65536xf32, #tpu.memory_space<vmem>>, vector<16xf32>,
        %add3A_980 = arith.constant 1 : i32
        %add3A_981 = vector.broadcast %add3A_980 : i32 to vector<16xi32>
        %add3A_982 = arith.addi %get3A_554, %add3A_981 : vector<16xi32>
        %gather3A_983 = tpu.vector_load_idx %arg14[%add3A_982] : memref<8192xf32, #tpu.memory_space<vmem>>[vector<16xi32>], vector<16xf32>,
        %add3A_984 = arith.constant 49280 : i32
        %add3A_985 = arith.addi %add3A_984, %add3A_589 : i32
        %swap3A_986 = arith.index_cast %add3A_985 : i32 to index
        %swap3A_987 = tpu.vector_load %arg15[%swap3A_986] {strides = array<i32>} : memref<65536xf32, #tpu.memory_space<vmem>>, vector<16xf32>,
        tpu.vector_store %arg15[%swap3A_986], %gather3A_983 {strides = array<i32>} : memref<65536xf32, #tpu.memory_space<vmem>>, vector<16xf32>,
        %add3A_988 = arith.constant 2 : i32
        %add3A_989 = vector.broadcast %add3A_988 : i32 to vector<16xi32>
        %add3A_990 = arith.addi %get3A_554, %add3A_989 : vector<16xi32>
        %gather3A_991 = tpu.vector_load_idx %arg14[%add3A_990] : memref<8192xf32, #tpu.memory_space<vmem>>[vector<16xi32>], vector<16xf32>,
        %add3A_992 = arith.constant 51200 : i32
        %add3A_993 = arith.addi %add3A_992, %add3A_589 : i32
        %swap3A_994 = arith.index_cast %add3A_993 : i32 to index
        %swap3A_995 = tpu.vector_load %arg15[%swap3A_994] {strides = array<i32>} : memref<65536xf32, #tpu.memory_space<vmem>>, vector<16xf32>,
        tpu.vector_store %arg15[%swap3A_994], %gather3A_991 {strides = array<i32>} : memref<65536xf32, #tpu.memory_space<vmem>>, vector<16xf32>,
        %add3A_996 = arith.constant 3 : i32
        %add3A_997 = vector.broadcast %add3A_996 : i32 to vector<16xi32>
        %add3A_998 = arith.addi %get3A_554, %add3A_997 : vector<16xi32>
        %gather3A_999 = tpu.vector_load_idx %arg14[%add3A_998] : memref<8192xf32, #tpu.memory_space<vmem>>[vector<16xi32>], vector<16xf32>,
        %add3A_1000 = arith.constant 51328 : i32
        %add3A_1001 = arith.addi %add3A_1000, %add3A_589 : i32
        %swap3A_1002 = arith.index_cast %add3A_1001 : i32 to index
        %swap3A_1003 = tpu.vector_load %arg15[%swap3A_1002] {strides = array<i32>} : memref<65536xf32, #tpu.memory_space<vmem>>, vector<16xf32>,
        tpu.vector_store %arg15[%swap3A_1002], %gather3A_999 {strides = array<i32>} : memref<65536xf32, #tpu.memory_space<vmem>>, vector<16xf32>,
        %add3A_1004 = arith.constant 4 : i32
        %add3A_1005 = vector.broadcast %add3A_1004 : i32 to vector<16xi32>
        %add3A_1006 = arith.addi %get3A_554, %add3A_1005 : vector<16xi32>
        %gather3A_1007 = tpu.vector_load_idx %arg14[%add3A_1006] : memref<8192xf32, #tpu.memory_space<vmem>>[vector<16xi32>], vector<16xf32>,
        %add3A_1008 = arith.constant 53248 : i32
        %add3A_1009 = arith.addi %add3A_1008, %add3A_589 : i32
        %swap3A_1010 = arith.index_cast %add3A_1009 : i32 to index
        %swap3A_1011 = tpu.vector_load %arg15[%swap3A_1010] {strides = array<i32>} : memref<65536xf32, #tpu.memory_space<vmem>>, vector<16xf32>,
        tpu.vector_store %arg15[%swap3A_1010], %gather3A_1007 {strides = array<i32>} : memref<65536xf32, #tpu.memory_space<vmem>>, vector<16xf32>,
        %add3A_1012 = arith.constant 5 : i32
        %add3A_1013 = vector.broadcast %add3A_1012 : i32 to vector<16xi32>
        %add3A_1014 = arith.addi %get3A_554, %add3A_1013 : vector<16xi32>
        %gather3A_1015 = tpu.vector_load_idx %arg14[%add3A_1014] : memref<8192xf32, #tpu.memory_space<vmem>>[vector<16xi32>], vector<16xf32>,
        %add3A_1016 = arith.constant 53376 : i32
        %add3A_1017 = arith.addi %add3A_1016, %add3A_589 : i32
        %swap3A_1018 = arith.index_cast %add3A_1017 : i32 to index
        %swap3A_1019 = tpu.vector_load %arg15[%swap3A_1018] {strides = array<i32>} : memref<65536xf32, #tpu.memory_space<vmem>>, vector<16xf32>,
        tpu.vector_store %arg15[%swap3A_1018], %gather3A_1015 {strides = array<i32>} : memref<65536xf32, #tpu.memory_space<vmem>>, vector<16xf32>,
        %add3A_1020 = arith.constant 6 : i32
        %add3A_1021 = vector.broadcast %add3A_1020 : i32 to vector<16xi32>
        %add3A_1022 = arith.addi %get3A_554, %add3A_1021 : vector<16xi32>
        %gather3A_1023 = tpu.vector_load_idx %arg14[%add3A_1022] : memref<8192xf32, #tpu.memory_space<vmem>>[vector<16xi32>], vector<16xf32>,
        %add3A_1024 = arith.constant 55296 : i32
        %add3A_1025 = arith.addi %add3A_1024, %add3A_589 : i32
        %swap3A_1026 = arith.index_cast %add3A_1025 : i32 to index
        %swap3A_1027 = tpu.vector_load %arg15[%swap3A_1026] {strides = array<i32>} : memref<65536xf32, #tpu.memory_space<vmem>>, vector<16xf32>,
        tpu.vector_store %arg15[%swap3A_1026], %gather3A_1023 {strides = array<i32>} : memref<65536xf32, #tpu.memory_space<vmem>>, vector<16xf32>,
        %add3A_1028 = arith.constant 7 : i32
        %add3A_1029 = vector.broadcast %add3A_1028 : i32 to vector<16xi32>
        %add3A_1030 = arith.addi %get3A_554, %add3A_1029 : vector<16xi32>
        %gather3A_1031 = tpu.vector_load_idx %arg14[%add3A_1030] : memref<8192xf32, #tpu.memory_space<vmem>>[vector<16xi32>], vector<16xf32>,
        %add3A_1032 = arith.constant 55424 : i32
        %add3A_1033 = arith.addi %add3A_1032, %add3A_589 : i32
        %swap3A_1034 = arith.index_cast %add3A_1033 : i32 to index
        %swap3A_1035 = tpu.vector_load %arg15[%swap3A_1034] {strides = array<i32>} : memref<65536xf32, #tpu.memory_space<vmem>>, vector<16xf32>,
        tpu.vector_store %arg15[%swap3A_1034], %gather3A_1031 {strides = array<i32>} : memref<65536xf32, #tpu.memory_space<vmem>>, vector<16xf32>,
        %add3A_1036 = arith.constant 8 : i32
        %add3A_1037 = vector.broadcast %add3A_1036 : i32 to vector<16xi32>
        %add3A_1038 = arith.addi %get3A_554, %add3A_1037 : vector<16xi32>
        %gather3A_1039 = tpu.vector_load_idx %arg14[%add3A_1038] : memref<8192xf32, #tpu.memory_space<vmem>>[vector<16xi32>], vector<16xf32>,
        %add3A_1040 = arith.constant 57344 : i32
        %add3A_1041 = arith.addi %add3A_1040, %add3A_589 : i32
        %swap3A_1042 = arith.index_cast %add3A_1041 : i32 to index
        %swap3A_1043 = tpu.vector_load %arg15[%swap3A_1042] {strides = array<i32>} : memref<65536xf32, #tpu.memory_space<vmem>>, vector<16xf32>,
        tpu.vector_store %arg15[%swap3A_1042], %gather3A_1039 {strides = array<i32>} : memref<65536xf32, #tpu.memory_space<vmem>>, vector<16xf32>,
        %add3A_1044 = arith.constant 9 : i32
        %add3A_1045 = vector.broadcast %add3A_1044 : i32 to vector<16xi32>
        %add3A_1046 = arith.addi %get3A_554, %add3A_1045 : vector<16xi32>
        %gather3A_1047 = tpu.vector_load_idx %arg14[%add3A_1046] : memref<8192xf32, #tpu.memory_space<vmem>>[vector<16xi32>], vector<16xf32>,
        %add3A_1048 = arith.constant 57472 : i32
        %add3A_1049 = arith.addi %add3A_1048, %add3A_589 : i32
        %swap3A_1050 = arith.index_cast %add3A_1049 : i32 to index
        %swap3A_1051 = tpu.vector_load %arg15[%swap3A_1050] {strides = array<i32>} : memref<65536xf32, #tpu.memory_space<vmem>>, vector<16xf32>,
        tpu.vector_store %arg15[%swap3A_1050], %gather3A_1047 {strides = array<i32>} : memref<65536xf32, #tpu.memory_space<vmem>>, vector<16xf32>,
        %add3A_1052 = arith.constant 10 : i32
        %add3A_1053 = vector.broadcast %add3A_1052 : i32 to vector<16xi32>
        %add3A_1054 = arith.addi %get3A_554, %add3A_1053 : vector<16xi32>
        %gather3A_1055 = tpu.vector_load_idx %arg14[%add3A_1054] : memref<8192xf32, #tpu.memory_space<vmem>>[vector<16xi32>], vector<16xf32>,
        %add3A_1056 = arith.constant 59392 : i32
        %add3A_1057 = arith.addi %add3A_1056, %add3A_589 : i32
        %swap3A_1058 = arith.index_cast %add3A_1057 : i32 to index
        %swap3A_1059 = tpu.vector_load %arg15[%swap3A_1058] {strides = array<i32>} : memref<65536xf32, #tpu.memory_space<vmem>>, vector<16xf32>,
        tpu.vector_store %arg15[%swap3A_1058], %gather3A_1055 {strides = array<i32>} : memref<65536xf32, #tpu.memory_space<vmem>>, vector<16xf32>,
        %add3A_1060 = arith.constant 11 : i32
        %add3A_1061 = vector.broadcast %add3A_1060 : i32 to vector<16xi32>
        %add3A_1062 = arith.addi %get3A_554, %add3A_1061 : vector<16xi32>
        %gather3A_1063 = tpu.vector_load_idx %arg14[%add3A_1062] : memref<8192xf32, #tpu.memory_space<vmem>>[vector<16xi32>], vector<16xf32>,
        %add3A_1064 = arith.constant 59520 : i32
        %add3A_1065 = arith.addi %add3A_1064, %add3A_589 : i32
        %swap3A_1066 = arith.index_cast %add3A_1065 : i32 to index
        %swap3A_1067 = tpu.vector_load %arg15[%swap3A_1066] {strides = array<i32>} : memref<65536xf32, #tpu.memory_space<vmem>>, vector<16xf32>,
        tpu.vector_store %arg15[%swap3A_1066], %gather3A_1063 {strides = array<i32>} : memref<65536xf32, #tpu.memory_space<vmem>>, vector<16xf32>,
        %add3A_1068 = arith.constant 12 : i32
        %add3A_1069 = vector.broadcast %add3A_1068 : i32 to vector<16xi32>
        %add3A_1070 = arith.addi %get3A_554, %add3A_1069 : vector<16xi32>
        %gather3A_1071 = tpu.vector_load_idx %arg14[%add3A_1070] : memref<8192xf32, #tpu.memory_space<vmem>>[vector<16xi32>], vector<16xf32>,
        %add3A_1072 = arith.constant 61440 : i32
        %add3A_1073 = arith.addi %add3A_1072, %add3A_589 : i32
        %swap3A_1074 = arith.index_cast %add3A_1073 : i32 to index
        %swap3A_1075 = tpu.vector_load %arg15[%swap3A_1074] {strides = array<i32>} : memref<65536xf32, #tpu.memory_space<vmem>>, vector<16xf32>,
        tpu.vector_store %arg15[%swap3A_1074], %gather3A_1071 {strides = array<i32>} : memref<65536xf32, #tpu.memory_space<vmem>>, vector<16xf32>,
        %add3A_1076 = arith.constant 13 : i32
        %add3A_1077 = vector.broadcast %add3A_1076 : i32 to vector<16xi32>
        %add3A_1078 = arith.addi %get3A_554, %add3A_1077 : vector<16xi32>
        %gather3A_1079 = tpu.vector_load_idx %arg14[%add3A_1078] : memref<8192xf32, #tpu.memory_space<vmem>>[vector<16xi32>], vector<16xf32>,
        %add3A_1080 = arith.constant 61568 : i32
        %add3A_1081 = arith.addi %add3A_1080, %add3A_589 : i32
        %swap3A_1082 = arith.index_cast %add3A_1081 : i32 to index
        %swap3A_1083 = tpu.vector_load %arg15[%swap3A_1082] {strides = array<i32>} : memref<65536xf32, #tpu.memory_space<vmem>>, vector<16xf32>,
        tpu.vector_store %arg15[%swap3A_1082], %gather3A_1079 {strides = array<i32>} : memref<65536xf32, #tpu.memory_space<vmem>>, vector<16xf32>,
        %add3A_1084 = arith.constant 14 : i32
        %add3A_1085 = vector.broadcast %add3A_1084 : i32 to vector<16xi32>
        %add3A_1086 = arith.addi %get3A_554, %add3A_1085 : vector<16xi32>
        %gather3A_1087 = tpu.vector_load_idx %arg14[%add3A_1086] : memref<8192xf32, #tpu.memory_space<vmem>>[vector<16xi32>], vector<16xf32>,
        %add3A_1088 = arith.constant 63488 : i32
        %add3A_1089 = arith.addi %add3A_1088, %add3A_589 : i32
        %swap3A_1090 = arith.index_cast %add3A_1089 : i32 to index
        %swap3A_1091 = tpu.vector_load %arg15[%swap3A_1090] {strides = array<i32>} : memref<65536xf32, #tpu.memory_space<vmem>>, vector<16xf32>,
        tpu.vector_store %arg15[%swap3A_1090], %gather3A_1087 {strides = array<i32>} : memref<65536xf32, #tpu.memory_space<vmem>>, vector<16xf32>,
        %add3A_1092 = arith.constant 15 : i32
        %add3A_1093 = vector.broadcast %add3A_1092 : i32 to vector<16xi32>
        %add3A_1094 = arith.addi %get3A_554, %add3A_1093 : vector<16xi32>
        %gather3A_1095 = tpu.vector_load_idx %arg14[%add3A_1094] : memref<8192xf32, #tpu.memory_space<vmem>>[vector<16xi32>], vector<16xf32>,
        %add3A_1096 = arith.constant 63616 : i32
        %add3A_1097 = arith.addi %add3A_1096, %add3A_589 : i32
        %swap3A_1098 = arith.index_cast %add3A_1097 : i32 to index
        %swap3A_1099 = tpu.vector_load %arg15[%swap3A_1098] {strides = array<i32>} : memref<65536xf32, #tpu.memory_space<vmem>>, vector<16xf32>,
        tpu.vector_store %arg15[%swap3A_1098], %gather3A_1095 {strides = array<i32>} : memref<65536xf32, #tpu.memory_space<vmem>>, vector<16xf32>,
      }
      %scan3A_30 = arith.constant 64 : i32
      %mul3A_31 = arith.constant 2 : i32
      %mul3A_32 = arith.muli %multiple_of3A, %mul3A_31 : i32
      %add3A_33 = arith.constant 0 : i32
      %add3A_34 = arith.addi %add3A_33, %mul3A_32 : i32
      %dma_start3A_35 = arith.constant 0 : i32
      %dma_start3A_36 = tpu.memref_slice %arg15[%dma_start3A_35] : memref<65536xf32, #tpu.memory_space<vmem>> -> memref<2048xf32, #tpu.memory_space<vmem>>
      %dma_start3A_37 = tpu.memref_slice %arg8[%add3A_34] : memref<33554432xf32, #tpu.memory_space<hbm>> -> memref<2048xf32, #tpu.memory_space<hbm>>
      %dma_start3A_38 = tpu.memref_slice %arg8[%add3A_34] : memref<33554432xf32, #tpu.memory_space<hbm>> -> memref<2048xf32, #tpu.memory_space<hbm>>
      %dma_start3A_39 = arith.constant 0 : i32
      %dma_start3A_40 = tpu.memref_slice %arg15[%dma_start3A_39] : memref<65536xf32, #tpu.memory_space<vmem>> -> memref<2048xf32, #tpu.memory_space<vmem>>
      tpu.enqueue_dma source(%dma_start3A_40 : memref<2048xf32, #tpu.memory_space<vmem>>) target(%dma_start3A_38 : memref<2048xf32, #tpu.memory_space<hbm>>) target_semaphore(%arg16 : memref<!tpu.dma_semaphore, #tpu.memory_space<semaphore_mem>>)
      %mul3A_41 = arith.constant 2 : i32
      %mul3A_42 = arith.muli %multiple_of3A, %mul3A_41 : i32
      %add3A_43 = arith.constant 1048576 : i32
      %add3A_44 = arith.addi %add3A_43, %mul3A_42 : i32
      %dma_start3A_45 = arith.constant 2048 : i32
      %dma_start3A_46 = tpu.memref_slice %arg15[%dma_start3A_45] : memref<65536xf32, #tpu.memory_space<vmem>> -> memref<2048xf32, #tpu.memory_space<vmem>>
      %dma_start3A_47 = tpu.memref_slice %arg8[%add3A_44] : memref<33554432xf32, #tpu.memory_space<hbm>> -> memref<2048xf32, #tpu.memory_space<hbm>>
      %dma_start3A_48 = tpu.memref_slice %arg8[%add3A_44] : memref<33554432xf32, #tpu.memory_space<hbm>> -> memref<2048xf32, #tpu.memory_space<hbm>>
      %dma_start3A_49 = arith.constant 2048 : i32
      %dma_start3A_50 = tpu.memref_slice %arg15[%dma_start3A_49] : memref<65536xf32, #tpu.memory_space<vmem>> -> memref<2048xf32, #tpu.memory_space<vmem>>
      tpu.enqueue_dma source(%dma_start3A_50 : memref<2048xf32, #tpu.memory_space<vmem>>) target(%dma_start3A_48 : memref<2048xf32, #tpu.memory_space<hbm>>) target_semaphore(%arg16 : memref<!tpu.dma_semaphore, #tpu.memory_space<semaphore_mem>>)
      %mul3A_51 = arith.constant 2 : i32
      %mul3A_52 = arith.muli %multiple_of3A, %mul3A_51 : i32
      %add3A_53 = arith.constant 2097152 : i32
      %add3A_54 = arith.addi %add3A_53, %mul3A_52 : i32
      %dma_start3A_55 = arith.constant 4096 : i32
      %dma_start3A_56 = tpu.memref_slice %arg15[%dma_start3A_55] : memref<65536xf32, #tpu.memory_space<vmem>> -> memref<2048xf32, #tpu.memory_space<vmem>>
      %dma_start3A_57 = tpu.memref_slice %arg8[%add3A_54] : memref<33554432xf32, #tpu.memory_space<hbm>> -> memref<2048xf32, #tpu.memory_space<hbm>>
      %dma_start3A_58 = tpu.memref_slice %arg8[%add3A_54] : memref<33554432xf32, #tpu.memory_space<hbm>> -> memref<2048xf32, #tpu.memory_space<hbm>>
      %dma_start3A_59 = arith.constant 4096 : i32
      %dma_start3A_60 = tpu.memref_slice %arg15[%dma_start3A_59] : memref<65536xf32, #tpu.memory_space<vmem>> -> memref<2048xf32, #tpu.memory_space<vmem>>
      tpu.enqueue_dma source(%dma_start3A_60 : memref<2048xf32, #tpu.memory_space<vmem>>) target(%dma_start3A_58 : memref<2048xf32, #tpu.memory_space<hbm>>) target_semaphore(%arg16 : memref<!tpu.dma_semaphore, #tpu.memory_space<semaphore_mem>>)
      %mul3A_61 = arith.constant 2 : i32
      %mul3A_62 = arith.muli %multiple_of3A, %mul3A_61 : i32
      %add3A_63 = arith.constant 3145728 : i32
      %add3A_64 = arith.addi %add3A_63, %mul3A_62 : i32
      %dma_start3A_65 = arith.constant 6144 : i32
      %dma_start3A_66 = tpu.memref_slice %arg15[%dma_start3A_65] : memref<65536xf32, #tpu.memory_space<vmem>> -> memref<2048xf32, #tpu.memory_space<vmem>>
      %dma_start3A_67 = tpu.memref_slice %arg8[%add3A_64] : memref<33554432xf32, #tpu.memory_space<hbm>> -> memref<2048xf32, #tpu.memory_space<hbm>>
      %dma_start3A_68 = tpu.memref_slice %arg8[%add3A_64] : memref<33554432xf32, #tpu.memory_space<hbm>> -> memref<2048xf32, #tpu.memory_space<hbm>>
      %dma_start3A_69 = arith.constant 6144 : i32
      %dma_start3A_70 = tpu.memref_slice %arg15[%dma_start3A_69] : memref<65536xf32, #tpu.memory_space<vmem>> -> memref<2048xf32, #tpu.memory_space<vmem>>
      tpu.enqueue_dma source(%dma_start3A_70 : memref<2048xf32, #tpu.memory_space<vmem>>) target(%dma_start3A_68 : memref<2048xf32, #tpu.memory_space<hbm>>) target_semaphore(%arg16 : memref<!tpu.dma_semaphore, #tpu.memory_space<semaphore_mem>>)
      %mul3A_71 = arith.constant 2 : i32
      %mul3A_72 = arith.muli %multiple_of3A, %mul3A_71 : i32
      %add3A_73 = arith.constant 4194304 : i32
      %add3A_74 = arith.addi %add3A_73, %mul3A_72 : i32
      %dma_start3A_75 = arith.constant 8192 : i32
      %dma_start3A_76 = tpu.memref_slice %arg15[%dma_start3A_75] : memref<65536xf32, #tpu.memory_space<vmem>> -> memref<2048xf32, #tpu.memory_space<vmem>>
      %dma_start3A_77 = tpu.memref_slice %arg8[%add3A_74] : memref<33554432xf32, #tpu.memory_space<hbm>> -> memref<2048xf32, #tpu.memory_space<hbm>>
      %dma_start3A_78 = tpu.memref_slice %arg8[%add3A_74] : memref<33554432xf32, #tpu.memory_space<hbm>> -> memref<2048xf32, #tpu.memory_space<hbm>>
      %dma_start3A_79 = arith.constant 8192 : i32
      %dma_start3A_80 = tpu.memref_slice %arg15[%dma_start3A_79] : memref<65536xf32, #tpu.memory_space<vmem>> -> memref<2048xf32, #tpu.memory_space<vmem>>
      tpu.enqueue_dma source(%dma_start3A_80 : memref<2048xf32, #tpu.memory_space<vmem>>) target(%dma_start3A_78 : memref<2048xf32, #tpu.memory_space<hbm>>) target_semaphore(%arg16 : memref<!tpu.dma_semaphore, #tpu.memory_space<semaphore_mem>>)
      %mul3A_81 = arith.constant 2 : i32
      %mul3A_82 = arith.muli %multiple_of3A, %mul3A_81 : i32
      %add3A_83 = arith.constant 5242880 : i32
      %add3A_84 = arith.addi %add3A_83, %mul3A_82 : i32
      %dma_start3A_85 = arith.constant 10240 : i32
      %dma_start3A_86 = tpu.memref_slice %arg15[%dma_start3A_85] : memref<65536xf32, #tpu.memory_space<vmem>> -> memref<2048xf32, #tpu.memory_space<vmem>>
      %dma_start3A_87 = tpu.memref_slice %arg8[%add3A_84] : memref<33554432xf32, #tpu.memory_space<hbm>> -> memref<2048xf32, #tpu.memory_space<hbm>>
      %dma_start3A_88 = tpu.memref_slice %arg8[%add3A_84] : memref<33554432xf32, #tpu.memory_space<hbm>> -> memref<2048xf32, #tpu.memory_space<hbm>>
      %dma_start3A_89 = arith.constant 10240 : i32
      %dma_start3A_90 = tpu.memref_slice %arg15[%dma_start3A_89] : memref<65536xf32, #tpu.memory_space<vmem>> -> memref<2048xf32, #tpu.memory_space<vmem>>
      tpu.enqueue_dma source(%dma_start3A_90 : memref<2048xf32, #tpu.memory_space<vmem>>) target(%dma_start3A_88 : memref<2048xf32, #tpu.memory_space<hbm>>) target_semaphore(%arg16 : memref<!tpu.dma_semaphore, #tpu.memory_space<semaphore_mem>>)
      %mul3A_91 = arith.constant 2 : i32
      %mul3A_92 = arith.muli %multiple_of3A, %mul3A_91 : i32
      %add3A_93 = arith.constant 6291456 : i32
      %add3A_94 = arith.addi %add3A_93, %mul3A_92 : i32
      %dma_start3A_95 = arith.constant 12288 : i32
      %dma_start3A_96 = tpu.memref_slice %arg15[%dma_start3A_95] : memref<65536xf32, #tpu.memory_space<vmem>> -> memref<2048xf32, #tpu.memory_space<vmem>>
      %dma_start3A_97 = tpu.memref_slice %arg8[%add3A_94] : memref<33554432xf32, #tpu.memory_space<hbm>> -> memref<2048xf32, #tpu.memory_space<hbm>>
      %dma_start3A_98 = tpu.memref_slice %arg8[%add3A_94] : memref<33554432xf32, #tpu.memory_space<hbm>> -> memref<2048xf32, #tpu.memory_space<hbm>>
      %dma_start3A_99 = arith.constant 12288 : i32
      %dma_start3A_100 = tpu.memref_slice %arg15[%dma_start3A_99] : memref<65536xf32, #tpu.memory_space<vmem>> -> memref<2048xf32, #tpu.memory_space<vmem>>
      tpu.enqueue_dma source(%dma_start3A_100 : memref<2048xf32, #tpu.memory_space<vmem>>) target(%dma_start3A_98 : memref<2048xf32, #tpu.memory_space<hbm>>) target_semaphore(%arg16 : memref<!tpu.dma_semaphore, #tpu.memory_space<semaphore_mem>>)
      %mul3A_101 = arith.constant 2 : i32
      %mul3A_102 = arith.muli %multiple_of3A, %mul3A_101 : i32
      %add3A_103 = arith.constant 7340032 : i32
      %add3A_104 = arith.addi %add3A_103, %mul3A_102 : i32
      %dma_start3A_105 = arith.constant 14336 : i32
      %dma_start3A_106 = tpu.memref_slice %arg15[%dma_start3A_105] : memref<65536xf32, #tpu.memory_space<vmem>> -> memref<2048xf32, #tpu.memory_space<vmem>>
      %dma_start3A_107 = tpu.memref_slice %arg8[%add3A_104] : memref<33554432xf32, #tpu.memory_space<hbm>> -> memref<2048xf32, #tpu.memory_space<hbm>>
      %dma_start3A_108 = tpu.memref_slice %arg8[%add3A_104] : memref<33554432xf32, #tpu.memory_space<hbm>> -> memref<2048xf32, #tpu.memory_space<hbm>>
      %dma_start3A_109 = arith.constant 14336 : i32
      %dma_start3A_110 = tpu.memref_slice %arg15[%dma_start3A_109] : memref<65536xf32, #tpu.memory_space<vmem>> -> memref<2048xf32, #tpu.memory_space<vmem>>
      tpu.enqueue_dma source(%dma_start3A_110 : memref<2048xf32, #tpu.memory_space<vmem>>) target(%dma_start3A_108 : memref<2048xf32, #tpu.memory_space<hbm>>) target_semaphore(%arg16 : memref<!tpu.dma_semaphore, #tpu.memory_space<semaphore_mem>>)
      %mul3A_111 = arith.constant 2 : i32
      %mul3A_112 = arith.muli %multiple_of3A, %mul3A_111 : i32
      %add3A_113 = arith.constant 8388608 : i32
      %add3A_114 = arith.addi %add3A_113, %mul3A_112 : i32
      %dma_start3A_115 = arith.constant 16384 : i32
      %dma_start3A_116 = tpu.memref_slice %arg15[%dma_start3A_115] : memref<65536xf32, #tpu.memory_space<vmem>> -> memref<2048xf32, #tpu.memory_space<vmem>>
      %dma_start3A_117 = tpu.memref_slice %arg8[%add3A_114] : memref<33554432xf32, #tpu.memory_space<hbm>> -> memref<2048xf32, #tpu.memory_space<hbm>>
      %dma_start3A_118 = tpu.memref_slice %arg8[%add3A_114] : memref<33554432xf32, #tpu.memory_space<hbm>> -> memref<2048xf32, #tpu.memory_space<hbm>>
      %dma_start3A_119 = arith.constant 16384 : i32
      %dma_start3A_120 = tpu.memref_slice %arg15[%dma_start3A_119] : memref<65536xf32, #tpu.memory_space<vmem>> -> memref<2048xf32, #tpu.memory_space<vmem>>
      tpu.enqueue_dma source(%dma_start3A_120 : memref<2048xf32, #tpu.memory_space<vmem>>) target(%dma_start3A_118 : memref<2048xf32, #tpu.memory_space<hbm>>) target_semaphore(%arg16 : memref<!tpu.dma_semaphore, #tpu.memory_space<semaphore_mem>>)
      %mul3A_121 = arith.constant 2 : i32
      %mul3A_122 = arith.muli %multiple_of3A, %mul3A_121 : i32
      %add3A_123 = arith.constant 9437184 : i32
      %add3A_124 = arith.addi %add3A_123, %mul3A_122 : i32
      %dma_start3A_125 = arith.constant 18432 : i32
      %dma_start3A_126 = tpu.memref_slice %arg15[%dma_start3A_125] : memref<65536xf32, #tpu.memory_space<vmem>> -> memref<2048xf32, #tpu.memory_space<vmem>>
      %dma_start3A_127 = tpu.memref_slice %arg8[%add3A_124] : memref<33554432xf32, #tpu.memory_space<hbm>> -> memref<2048xf32, #tpu.memory_space<hbm>>
      %dma_start3A_128 = tpu.memref_slice %arg8[%add3A_124] : memref<33554432xf32, #tpu.memory_space<hbm>> -> memref<2048xf32, #tpu.memory_space<hbm>>
      %dma_start3A_129 = arith.constant 18432 : i32
      %dma_start3A_130 = tpu.memref_slice %arg15[%dma_start3A_129] : memref<65536xf32, #tpu.memory_space<vmem>> -> memref<2048xf32, #tpu.memory_space<vmem>>
      tpu.enqueue_dma source(%dma_start3A_130 : memref<2048xf32, #tpu.memory_space<vmem>>) target(%dma_start3A_128 : memref<2048xf32, #tpu.memory_space<hbm>>) target_semaphore(%arg16 : memref<!tpu.dma_semaphore, #tpu.memory_space<semaphore_mem>>)
      %mul3A_131 = arith.constant 2 : i32
      %mul3A_132 = arith.muli %multiple_of3A, %mul3A_131 : i32
      %add3A_133 = arith.constant 10485760 : i32
      %add3A_134 = arith.addi %add3A_133, %mul3A_132 : i32
      %dma_start3A_135 = arith.constant 20480 : i32
      %dma_start3A_136 = tpu.memref_slice %arg15[%dma_start3A_135] : memref<65536xf32, #tpu.memory_space<vmem>> -> memref<2048xf32, #tpu.memory_space<vmem>>
      %dma_start3A_137 = tpu.memref_slice %arg8[%add3A_134] : memref<33554432xf32, #tpu.memory_space<hbm>> -> memref<2048xf32, #tpu.memory_space<hbm>>
      %dma_start3A_138 = tpu.memref_slice %arg8[%add3A_134] : memref<33554432xf32, #tpu.memory_space<hbm>> -> memref<2048xf32, #tpu.memory_space<hbm>>
      %dma_start3A_139 = arith.constant 20480 : i32
      %dma_start3A_140 = tpu.memref_slice %arg15[%dma_start3A_139] : memref<65536xf32, #tpu.memory_space<vmem>> -> memref<2048xf32, #tpu.memory_space<vmem>>
      tpu.enqueue_dma source(%dma_start3A_140 : memref<2048xf32, #tpu.memory_space<vmem>>) target(%dma_start3A_138 : memref<2048xf32, #tpu.memory_space<hbm>>) target_semaphore(%arg16 : memref<!tpu.dma_semaphore, #tpu.memory_space<semaphore_mem>>)
      %mul3A_141 = arith.constant 2 : i32
      %mul3A_142 = arith.muli %multiple_of3A, %mul3A_141 : i32
      %add3A_143 = arith.constant 11534336 : i32
      %add3A_144 = arith.addi %add3A_143, %mul3A_142 : i32
      %dma_start3A_145 = arith.constant 22528 : i32
      %dma_start3A_146 = tpu.memref_slice %arg15[%dma_start3A_145] : memref<65536xf32, #tpu.memory_space<vmem>> -> memref<2048xf32, #tpu.memory_space<vmem>>
      %dma_start3A_147 = tpu.memref_slice %arg8[%add3A_144] : memref<33554432xf32, #tpu.memory_space<hbm>> -> memref<2048xf32, #tpu.memory_space<hbm>>
      %dma_start3A_148 = tpu.memref_slice %arg8[%add3A_144] : memref<33554432xf32, #tpu.memory_space<hbm>> -> memref<2048xf32, #tpu.memory_space<hbm>>
      %dma_start3A_149 = arith.constant 22528 : i32
      %dma_start3A_150 = tpu.memref_slice %arg15[%dma_start3A_149] : memref<65536xf32, #tpu.memory_space<vmem>> -> memref<2048xf32, #tpu.memory_space<vmem>>
      tpu.enqueue_dma source(%dma_start3A_150 : memref<2048xf32, #tpu.memory_space<vmem>>) target(%dma_start3A_148 : memref<2048xf32, #tpu.memory_space<hbm>>) target_semaphore(%arg16 : memref<!tpu.dma_semaphore, #tpu.memory_space<semaphore_mem>>)
      %mul3A_151 = arith.constant 2 : i32
      %mul3A_152 = arith.muli %multiple_of3A, %mul3A_151 : i32
      %add3A_153 = arith.constant 12582912 : i32
      %add3A_154 = arith.addi %add3A_153, %mul3A_152 : i32
      %dma_start3A_155 = arith.constant 24576 : i32
      %dma_start3A_156 = tpu.memref_slice %arg15[%dma_start3A_155] : memref<65536xf32, #tpu.memory_space<vmem>> -> memref<2048xf32, #tpu.memory_space<vmem>>
      %dma_start3A_157 = tpu.memref_slice %arg8[%add3A_154] : memref<33554432xf32, #tpu.memory_space<hbm>> -> memref<2048xf32, #tpu.memory_space<hbm>>
      %dma_start3A_158 = tpu.memref_slice %arg8[%add3A_154] : memref<33554432xf32, #tpu.memory_space<hbm>> -> memref<2048xf32, #tpu.memory_space<hbm>>
      %dma_start3A_159 = arith.constant 24576 : i32
      %dma_start3A_160 = tpu.memref_slice %arg15[%dma_start3A_159] : memref<65536xf32, #tpu.memory_space<vmem>> -> memref<2048xf32, #tpu.memory_space<vmem>>
      tpu.enqueue_dma source(%dma_start3A_160 : memref<2048xf32, #tpu.memory_space<vmem>>) target(%dma_start3A_158 : memref<2048xf32, #tpu.memory_space<hbm>>) target_semaphore(%arg16 : memref<!tpu.dma_semaphore, #tpu.memory_space<semaphore_mem>>)
      %mul3A_161 = arith.constant 2 : i32
      %mul3A_162 = arith.muli %multiple_of3A, %mul3A_161 : i32
      %add3A_163 = arith.constant 13631488 : i32
      %add3A_164 = arith.addi %add3A_163, %mul3A_162 : i32
      %dma_start3A_165 = arith.constant 26624 : i32
      %dma_start3A_166 = tpu.memref_slice %arg15[%dma_start3A_165] : memref<65536xf32, #tpu.memory_space<vmem>> -> memref<2048xf32, #tpu.memory_space<vmem>>
      %dma_start3A_167 = tpu.memref_slice %arg8[%add3A_164] : memref<33554432xf32, #tpu.memory_space<hbm>> -> memref<2048xf32, #tpu.memory_space<hbm>>
      %dma_start3A_168 = tpu.memref_slice %arg8[%add3A_164] : memref<33554432xf32, #tpu.memory_space<hbm>> -> memref<2048xf32, #tpu.memory_space<hbm>>
      %dma_start3A_169 = arith.constant 26624 : i32
      %dma_start3A_170 = tpu.memref_slice %arg15[%dma_start3A_169] : memref<65536xf32, #tpu.memory_space<vmem>> -> memref<2048xf32, #tpu.memory_space<vmem>>
      tpu.enqueue_dma source(%dma_start3A_170 : memref<2048xf32, #tpu.memory_space<vmem>>) target(%dma_start3A_168 : memref<2048xf32, #tpu.memory_space<hbm>>) target_semaphore(%arg16 : memref<!tpu.dma_semaphore, #tpu.memory_space<semaphore_mem>>)
      %mul3A_171 = arith.constant 2 : i32
      %mul3A_172 = arith.muli %multiple_of3A, %mul3A_171 : i32
      %add3A_173 = arith.constant 14680064 : i32
      %add3A_174 = arith.addi %add3A_173, %mul3A_172 : i32
      %dma_start3A_175 = arith.constant 28672 : i32
      %dma_start3A_176 = tpu.memref_slice %arg15[%dma_start3A_175] : memref<65536xf32, #tpu.memory_space<vmem>> -> memref<2048xf32, #tpu.memory_space<vmem>>
      %dma_start3A_177 = tpu.memref_slice %arg8[%add3A_174] : memref<33554432xf32, #tpu.memory_space<hbm>> -> memref<2048xf32, #tpu.memory_space<hbm>>
      %dma_start3A_178 = tpu.memref_slice %arg8[%add3A_174] : memref<33554432xf32, #tpu.memory_space<hbm>> -> memref<2048xf32, #tpu.memory_space<hbm>>
      %dma_start3A_179 = arith.constant 28672 : i32
      %dma_start3A_180 = tpu.memref_slice %arg15[%dma_start3A_179] : memref<65536xf32, #tpu.memory_space<vmem>> -> memref<2048xf32, #tpu.memory_space<vmem>>
      tpu.enqueue_dma source(%dma_start3A_180 : memref<2048xf32, #tpu.memory_space<vmem>>) target(%dma_start3A_178 : memref<2048xf32, #tpu.memory_space<hbm>>) target_semaphore(%arg16 : memref<!tpu.dma_semaphore, #tpu.memory_space<semaphore_mem>>)
      %mul3A_181 = arith.constant 2 : i32
      %mul3A_182 = arith.muli %multiple_of3A, %mul3A_181 : i32
      %add3A_183 = arith.constant 15728640 : i32
      %add3A_184 = arith.addi %add3A_183, %mul3A_182 : i32
      %dma_start3A_185 = arith.constant 30720 : i32
      %dma_start3A_186 = tpu.memref_slice %arg15[%dma_start3A_185] : memref<65536xf32, #tpu.memory_space<vmem>> -> memref<2048xf32, #tpu.memory_space<vmem>>
      %dma_start3A_187 = tpu.memref_slice %arg8[%add3A_184] : memref<33554432xf32, #tpu.memory_space<hbm>> -> memref<2048xf32, #tpu.memory_space<hbm>>
      %dma_start3A_188 = tpu.memref_slice %arg8[%add3A_184] : memref<33554432xf32, #tpu.memory_space<hbm>> -> memref<2048xf32, #tpu.memory_space<hbm>>
      %dma_start3A_189 = arith.constant 30720 : i32
      %dma_start3A_190 = tpu.memref_slice %arg15[%dma_start3A_189] : memref<65536xf32, #tpu.memory_space<vmem>> -> memref<2048xf32, #tpu.memory_space<vmem>>
      tpu.enqueue_dma source(%dma_start3A_190 : memref<2048xf32, #tpu.memory_space<vmem>>) target(%dma_start3A_188 : memref<2048xf32, #tpu.memory_space<hbm>>) target_semaphore(%arg16 : memref<!tpu.dma_semaphore, #tpu.memory_space<semaphore_mem>>)
      %mul3A_191 = arith.constant 2 : i32
      %mul3A_192 = arith.muli %multiple_of3A, %mul3A_191 : i32
      %add3A_193 = arith.constant 16777216 : i32
      %add3A_194 = arith.addi %add3A_193, %mul3A_192 : i32
      %dma_start3A_195 = arith.constant 32768 : i32
      %dma_start3A_196 = tpu.memref_slice %arg15[%dma_start3A_195] : memref<65536xf32, #tpu.memory_space<vmem>> -> memref<2048xf32, #tpu.memory_space<vmem>>
      %dma_start3A_197 = tpu.memref_slice %arg8[%add3A_194] : memref<33554432xf32, #tpu.memory_space<hbm>> -> memref<2048xf32, #tpu.memory_space<hbm>>
      %dma_start3A_198 = tpu.memref_slice %arg8[%add3A_194] : memref<33554432xf32, #tpu.memory_space<hbm>> -> memref<2048xf32, #tpu.memory_space<hbm>>
      %dma_start3A_199 = arith.constant 32768 : i32
      %dma_start3A_200 = tpu.memref_slice %arg15[%dma_start3A_199] : memref<65536xf32, #tpu.memory_space<vmem>> -> memref<2048xf32, #tpu.memory_space<vmem>>
      tpu.enqueue_dma source(%dma_start3A_200 : memref<2048xf32, #tpu.memory_space<vmem>>) target(%dma_start3A_198 : memref<2048xf32, #tpu.memory_space<hbm>>) target_semaphore(%arg16 : memref<!tpu.dma_semaphore, #tpu.memory_space<semaphore_mem>>)
      %mul3A_201 = arith.constant 2 : i32
      %mul3A_202 = arith.muli %multiple_of3A, %mul3A_201 : i32
      %add3A_203 = arith.constant 17825792 : i32
      %add3A_204 = arith.addi %add3A_203, %mul3A_202 : i32
      %dma_start3A_205 = arith.constant 34816 : i32
      %dma_start3A_206 = tpu.memref_slice %arg15[%dma_start3A_205] : memref<65536xf32, #tpu.memory_space<vmem>> -> memref<2048xf32, #tpu.memory_space<vmem>>
      %dma_start3A_207 = tpu.memref_slice %arg8[%add3A_204] : memref<33554432xf32, #tpu.memory_space<hbm>> -> memref<2048xf32, #tpu.memory_space<hbm>>
      %dma_start3A_208 = tpu.memref_slice %arg8[%add3A_204] : memref<33554432xf32, #tpu.memory_space<hbm>> -> memref<2048xf32, #tpu.memory_space<hbm>>
      %dma_start3A_209 = arith.constant 34816 : i32
      %dma_start3A_210 = tpu.memref_slice %arg15[%dma_start3A_209] : memref<65536xf32, #tpu.memory_space<vmem>> -> memref<2048xf32, #tpu.memory_space<vmem>>
      tpu.enqueue_dma source(%dma_start3A_210 : memref<2048xf32, #tpu.memory_space<vmem>>) target(%dma_start3A_208 : memref<2048xf32, #tpu.memory_space<hbm>>) target_semaphore(%arg16 : memref<!tpu.dma_semaphore, #tpu.memory_space<semaphore_mem>>)
      %mul3A_211 = arith.constant 2 : i32
      %mul3A_212 = arith.muli %multiple_of3A, %mul3A_211 : i32
      %add3A_213 = arith.constant 18874368 : i32
      %add3A_214 = arith.addi %add3A_213, %mul3A_212 : i32
      %dma_start3A_215 = arith.constant 36864 : i32
      %dma_start3A_216 = tpu.memref_slice %arg15[%dma_start3A_215] : memref<65536xf32, #tpu.memory_space<vmem>> -> memref<2048xf32, #tpu.memory_space<vmem>>
      %dma_start3A_217 = tpu.memref_slice %arg8[%add3A_214] : memref<33554432xf32, #tpu.memory_space<hbm>> -> memref<2048xf32, #tpu.memory_space<hbm>>
      %dma_start3A_218 = tpu.memref_slice %arg8[%add3A_214] : memref<33554432xf32, #tpu.memory_space<hbm>> -> memref<2048xf32, #tpu.memory_space<hbm>>
      %dma_start3A_219 = arith.constant 36864 : i32
      %dma_start3A_220 = tpu.memref_slice %arg15[%dma_start3A_219] : memref<65536xf32, #tpu.memory_space<vmem>> -> memref<2048xf32, #tpu.memory_space<vmem>>
      tpu.enqueue_dma source(%dma_start3A_220 : memref<2048xf32, #tpu.memory_space<vmem>>) target(%dma_start3A_218 : memref<2048xf32, #tpu.memory_space<hbm>>) target_semaphore(%arg16 : memref<!tpu.dma_semaphore, #tpu.memory_space<semaphore_mem>>)
      %mul3A_221 = arith.constant 2 : i32
      %mul3A_222 = arith.muli %multiple_of3A, %mul3A_221 : i32
      %add3A_223 = arith.constant 19922944 : i32
      %add3A_224 = arith.addi %add3A_223, %mul3A_222 : i32
      %dma_start3A_225 = arith.constant 38912 : i32
      %dma_start3A_226 = tpu.memref_slice %arg15[%dma_start3A_225] : memref<65536xf32, #tpu.memory_space<vmem>> -> memref<2048xf32, #tpu.memory_space<vmem>>
      %dma_start3A_227 = tpu.memref_slice %arg8[%add3A_224] : memref<33554432xf32, #tpu.memory_space<hbm>> -> memref<2048xf32, #tpu.memory_space<hbm>>
      %dma_start3A_228 = tpu.memref_slice %arg8[%add3A_224] : memref<33554432xf32, #tpu.memory_space<hbm>> -> memref<2048xf32, #tpu.memory_space<hbm>>
      %dma_start3A_229 = arith.constant 38912 : i32
      %dma_start3A_230 = tpu.memref_slice %arg15[%dma_start3A_229] : memref<65536xf32, #tpu.memory_space<vmem>> -> memref<2048xf32, #tpu.memory_space<vmem>>
      tpu.enqueue_dma source(%dma_start3A_230 : memref<2048xf32, #tpu.memory_space<vmem>>) target(%dma_start3A_228 : memref<2048xf32, #tpu.memory_space<hbm>>) target_semaphore(%arg16 : memref<!tpu.dma_semaphore, #tpu.memory_space<semaphore_mem>>)
      %mul3A_231 = arith.constant 2 : i32
      %mul3A_232 = arith.muli %multiple_of3A, %mul3A_231 : i32
      %add3A_233 = arith.constant 20971520 : i32
      %add3A_234 = arith.addi %add3A_233, %mul3A_232 : i32
      %dma_start3A_235 = arith.constant 40960 : i32
      %dma_start3A_236 = tpu.memref_slice %arg15[%dma_start3A_235] : memref<65536xf32, #tpu.memory_space<vmem>> -> memref<2048xf32, #tpu.memory_space<vmem>>
      %dma_start3A_237 = tpu.memref_slice %arg8[%add3A_234] : memref<33554432xf32, #tpu.memory_space<hbm>> -> memref<2048xf32, #tpu.memory_space<hbm>>
      %dma_start3A_238 = tpu.memref_slice %arg8[%add3A_234] : memref<33554432xf32, #tpu.memory_space<hbm>> -> memref<2048xf32, #tpu.memory_space<hbm>>
      %dma_start3A_239 = arith.constant 40960 : i32
      %dma_start3A_240 = tpu.memref_slice %arg15[%dma_start3A_239] : memref<65536xf32, #tpu.memory_space<vmem>> -> memref<2048xf32, #tpu.memory_space<vmem>>
      tpu.enqueue_dma source(%dma_start3A_240 : memref<2048xf32, #tpu.memory_space<vmem>>) target(%dma_start3A_238 : memref<2048xf32, #tpu.memory_space<hbm>>) target_semaphore(%arg16 : memref<!tpu.dma_semaphore, #tpu.memory_space<semaphore_mem>>)
      %mul3A_241 = arith.constant 2 : i32
      %mul3A_242 = arith.muli %multiple_of3A, %mul3A_241 : i32
      %add3A_243 = arith.constant 22020096 : i32
      %add3A_244 = arith.addi %add3A_243, %mul3A_242 : i32
      %dma_start3A_245 = arith.constant 43008 : i32
      %dma_start3A_246 = tpu.memref_slice %arg15[%dma_start3A_245] : memref<65536xf32, #tpu.memory_space<vmem>> -> memref<2048xf32, #tpu.memory_space<vmem>>
      %dma_start3A_247 = tpu.memref_slice %arg8[%add3A_244] : memref<33554432xf32, #tpu.memory_space<hbm>> -> memref<2048xf32, #tpu.memory_space<hbm>>
      %dma_start3A_248 = tpu.memref_slice %arg8[%add3A_244] : memref<33554432xf32, #tpu.memory_space<hbm>> -> memref<2048xf32, #tpu.memory_space<hbm>>
      %dma_start3A_249 = arith.constant 43008 : i32
      %dma_start3A_250 = tpu.memref_slice %arg15[%dma_start3A_249] : memref<65536xf32, #tpu.memory_space<vmem>> -> memref<2048xf32, #tpu.memory_space<vmem>>
      tpu.enqueue_dma source(%dma_start3A_250 : memref<2048xf32, #tpu.memory_space<vmem>>) target(%dma_start3A_248 : memref<2048xf32, #tpu.memory_space<hbm>>) target_semaphore(%arg16 : memref<!tpu.dma_semaphore, #tpu.memory_space<semaphore_mem>>)
      %mul3A_251 = arith.constant 2 : i32
      %mul3A_252 = arith.muli %multiple_of3A, %mul3A_251 : i32
      %add3A_253 = arith.constant 23068672 : i32
      %add3A_254 = arith.addi %add3A_253, %mul3A_252 : i32
      %dma_start3A_255 = arith.constant 45056 : i32
      %dma_start3A_256 = tpu.memref_slice %arg15[%dma_start3A_255] : memref<65536xf32, #tpu.memory_space<vmem>> -> memref<2048xf32, #tpu.memory_space<vmem>>
      %dma_start3A_257 = tpu.memref_slice %arg8[%add3A_254] : memref<33554432xf32, #tpu.memory_space<hbm>> -> memref<2048xf32, #tpu.memory_space<hbm>>
      %dma_start3A_258 = tpu.memref_slice %arg8[%add3A_254] : memref<33554432xf32, #tpu.memory_space<hbm>> -> memref<2048xf32, #tpu.memory_space<hbm>>
      %dma_start3A_259 = arith.constant 45056 : i32
      %dma_start3A_260 = tpu.memref_slice %arg15[%dma_start3A_259] : memref<65536xf32, #tpu.memory_space<vmem>> -> memref<2048xf32, #tpu.memory_space<vmem>>
      tpu.enqueue_dma source(%dma_start3A_260 : memref<2048xf32, #tpu.memory_space<vmem>>) target(%dma_start3A_258 : memref<2048xf32, #tpu.memory_space<hbm>>) target_semaphore(%arg16 : memref<!tpu.dma_semaphore, #tpu.memory_space<semaphore_mem>>)
      %mul3A_261 = arith.constant 2 : i32
      %mul3A_262 = arith.muli %multiple_of3A, %mul3A_261 : i32
      %add3A_263 = arith.constant 24117248 : i32
      %add3A_264 = arith.addi %add3A_263, %mul3A_262 : i32
      %dma_start3A_265 = arith.constant 47104 : i32
      %dma_start3A_266 = tpu.memref_slice %arg15[%dma_start3A_265] : memref<65536xf32, #tpu.memory_space<vmem>> -> memref<2048xf32, #tpu.memory_space<vmem>>
      %dma_start3A_267 = tpu.memref_slice %arg8[%add3A_264] : memref<33554432xf32, #tpu.memory_space<hbm>> -> memref<2048xf32, #tpu.memory_space<hbm>>
      %dma_start3A_268 = tpu.memref_slice %arg8[%add3A_264] : memref<33554432xf32, #tpu.memory_space<hbm>> -> memref<2048xf32, #tpu.memory_space<hbm>>
      %dma_start3A_269 = arith.constant 47104 : i32
      %dma_start3A_270 = tpu.memref_slice %arg15[%dma_start3A_269] : memref<65536xf32, #tpu.memory_space<vmem>> -> memref<2048xf32, #tpu.memory_space<vmem>>
      tpu.enqueue_dma source(%dma_start3A_270 : memref<2048xf32, #tpu.memory_space<vmem>>) target(%dma_start3A_268 : memref<2048xf32, #tpu.memory_space<hbm>>) target_semaphore(%arg16 : memref<!tpu.dma_semaphore, #tpu.memory_space<semaphore_mem>>)
      %mul3A_271 = arith.constant 2 : i32
      %mul3A_272 = arith.muli %multiple_of3A, %mul3A_271 : i32
      %add3A_273 = arith.constant 25165824 : i32
      %add3A_274 = arith.addi %add3A_273, %mul3A_272 : i32
      %dma_start3A_275 = arith.constant 49152 : i32
      %dma_start3A_276 = tpu.memref_slice %arg15[%dma_start3A_275] : memref<65536xf32, #tpu.memory_space<vmem>> -> memref<2048xf32, #tpu.memory_space<vmem>>
      %dma_start3A_277 = tpu.memref_slice %arg8[%add3A_274] : memref<33554432xf32, #tpu.memory_space<hbm>> -> memref<2048xf32, #tpu.memory_space<hbm>>
      %dma_start3A_278 = tpu.memref_slice %arg8[%add3A_274] : memref<33554432xf32, #tpu.memory_space<hbm>> -> memref<2048xf32, #tpu.memory_space<hbm>>
      %dma_start3A_279 = arith.constant 49152 : i32
      %dma_start3A_280 = tpu.memref_slice %arg15[%dma_start3A_279] : memref<65536xf32, #tpu.memory_space<vmem>> -> memref<2048xf32, #tpu.memory_space<vmem>>
      tpu.enqueue_dma source(%dma_start3A_280 : memref<2048xf32, #tpu.memory_space<vmem>>) target(%dma_start3A_278 : memref<2048xf32, #tpu.memory_space<hbm>>) target_semaphore(%arg16 : memref<!tpu.dma_semaphore, #tpu.memory_space<semaphore_mem>>)
      %mul3A_281 = arith.constant 2 : i32
      %mul3A_282 = arith.muli %multiple_of3A, %mul3A_281 : i32
      %add3A_283 = arith.constant 26214400 : i32
      %add3A_284 = arith.addi %add3A_283, %mul3A_282 : i32
      %dma_start3A_285 = arith.constant 51200 : i32
      %dma_start3A_286 = tpu.memref_slice %arg15[%dma_start3A_285] : memref<65536xf32, #tpu.memory_space<vmem>> -> memref<2048xf32, #tpu.memory_space<vmem>>
      %dma_start3A_287 = tpu.memref_slice %arg8[%add3A_284] : memref<33554432xf32, #tpu.memory_space<hbm>> -> memref<2048xf32, #tpu.memory_space<hbm>>
      %dma_start3A_288 = tpu.memref_slice %arg8[%add3A_284] : memref<33554432xf32, #tpu.memory_space<hbm>> -> memref<2048xf32, #tpu.memory_space<hbm>>
      %dma_start3A_289 = arith.constant 51200 : i32
      %dma_start3A_290 = tpu.memref_slice %arg15[%dma_start3A_289] : memref<65536xf32, #tpu.memory_space<vmem>> -> memref<2048xf32, #tpu.memory_space<vmem>>
      tpu.enqueue_dma source(%dma_start3A_290 : memref<2048xf32, #tpu.memory_space<vmem>>) target(%dma_start3A_288 : memref<2048xf32, #tpu.memory_space<hbm>>) target_semaphore(%arg16 : memref<!tpu.dma_semaphore, #tpu.memory_space<semaphore_mem>>)
      %mul3A_291 = arith.constant 2 : i32
      %mul3A_292 = arith.muli %multiple_of3A, %mul3A_291 : i32
      %add3A_293 = arith.constant 27262976 : i32
      %add3A_294 = arith.addi %add3A_293, %mul3A_292 : i32
      %dma_start3A_295 = arith.constant 53248 : i32
      %dma_start3A_296 = tpu.memref_slice %arg15[%dma_start3A_295] : memref<65536xf32, #tpu.memory_space<vmem>> -> memref<2048xf32, #tpu.memory_space<vmem>>
      %dma_start3A_297 = tpu.memref_slice %arg8[%add3A_294] : memref<33554432xf32, #tpu.memory_space<hbm>> -> memref<2048xf32, #tpu.memory_space<hbm>>
      %dma_start3A_298 = tpu.memref_slice %arg8[%add3A_294] : memref<33554432xf32, #tpu.memory_space<hbm>> -> memref<2048xf32, #tpu.memory_space<hbm>>
      %dma_start3A_299 = arith.constant 53248 : i32
      %dma_start3A_300 = tpu.memref_slice %arg15[%dma_start3A_299] : memref<65536xf32, #tpu.memory_space<vmem>> -> memref<2048xf32, #tpu.memory_space<vmem>>
      tpu.enqueue_dma source(%dma_start3A_300 : memref<2048xf32, #tpu.memory_space<vmem>>) target(%dma_start3A_298 : memref<2048xf32, #tpu.memory_space<hbm>>) target_semaphore(%arg16 : memref<!tpu.dma_semaphore, #tpu.memory_space<semaphore_mem>>)
      %mul3A_301 = arith.constant 2 : i32
      %mul3A_302 = arith.muli %multiple_of3A, %mul3A_301 : i32
      %add3A_303 = arith.constant 28311552 : i32
      %add3A_304 = arith.addi %add3A_303, %mul3A_302 : i32
      %dma_start3A_305 = arith.constant 55296 : i32
      %dma_start3A_306 = tpu.memref_slice %arg15[%dma_start3A_305] : memref<65536xf32, #tpu.memory_space<vmem>> -> memref<2048xf32, #tpu.memory_space<vmem>>
      %dma_start3A_307 = tpu.memref_slice %arg8[%add3A_304] : memref<33554432xf32, #tpu.memory_space<hbm>> -> memref<2048xf32, #tpu.memory_space<hbm>>
      %dma_start3A_308 = tpu.memref_slice %arg8[%add3A_304] : memref<33554432xf32, #tpu.memory_space<hbm>> -> memref<2048xf32, #tpu.memory_space<hbm>>
      %dma_start3A_309 = arith.constant 55296 : i32
      %dma_start3A_310 = tpu.memref_slice %arg15[%dma_start3A_309] : memref<65536xf32, #tpu.memory_space<vmem>> -> memref<2048xf32, #tpu.memory_space<vmem>>
      tpu.enqueue_dma source(%dma_start3A_310 : memref<2048xf32, #tpu.memory_space<vmem>>) target(%dma_start3A_308 : memref<2048xf32, #tpu.memory_space<hbm>>) target_semaphore(%arg16 : memref<!tpu.dma_semaphore, #tpu.memory_space<semaphore_mem>>)
      %mul3A_311 = arith.constant 2 : i32
      %mul3A_312 = arith.muli %multiple_of3A, %mul3A_311 : i32
      %add3A_313 = arith.constant 29360128 : i32
      %add3A_314 = arith.addi %add3A_313, %mul3A_312 : i32
      %dma_start3A_315 = arith.constant 57344 : i32
      %dma_start3A_316 = tpu.memref_slice %arg15[%dma_start3A_315] : memref<65536xf32, #tpu.memory_space<vmem>> -> memref<2048xf32, #tpu.memory_space<vmem>>
      %dma_start3A_317 = tpu.memref_slice %arg8[%add3A_314] : memref<33554432xf32, #tpu.memory_space<hbm>> -> memref<2048xf32, #tpu.memory_space<hbm>>
      %dma_start3A_318 = tpu.memref_slice %arg8[%add3A_314] : memref<33554432xf32, #tpu.memory_space<hbm>> -> memref<2048xf32, #tpu.memory_space<hbm>>
      %dma_start3A_319 = arith.constant 57344 : i32
      %dma_start3A_320 = tpu.memref_slice %arg15[%dma_start3A_319] : memref<65536xf32, #tpu.memory_space<vmem>> -> memref<2048xf32, #tpu.memory_space<vmem>>
      tpu.enqueue_dma source(%dma_start3A_320 : memref<2048xf32, #tpu.memory_space<vmem>>) target(%dma_start3A_318 : memref<2048xf32, #tpu.memory_space<hbm>>) target_semaphore(%arg16 : memref<!tpu.dma_semaphore, #tpu.memory_space<semaphore_mem>>)
      %mul3A_321 = arith.constant 2 : i32
      %mul3A_322 = arith.muli %multiple_of3A, %mul3A_321 : i32
      %add3A_323 = arith.constant 30408704 : i32
      %add3A_324 = arith.addi %add3A_323, %mul3A_322 : i32
      %dma_start3A_325 = arith.constant 59392 : i32
      %dma_start3A_326 = tpu.memref_slice %arg15[%dma_start3A_325] : memref<65536xf32, #tpu.memory_space<vmem>> -> memref<2048xf32, #tpu.memory_space<vmem>>
      %dma_start3A_327 = tpu.memref_slice %arg8[%add3A_324] : memref<33554432xf32, #tpu.memory_space<hbm>> -> memref<2048xf32, #tpu.memory_space<hbm>>
      %dma_start3A_328 = tpu.memref_slice %arg8[%add3A_324] : memref<33554432xf32, #tpu.memory_space<hbm>> -> memref<2048xf32, #tpu.memory_space<hbm>>
      %dma_start3A_329 = arith.constant 59392 : i32
      %dma_start3A_330 = tpu.memref_slice %arg15[%dma_start3A_329] : memref<65536xf32, #tpu.memory_space<vmem>> -> memref<2048xf32, #tpu.memory_space<vmem>>
      tpu.enqueue_dma source(%dma_start3A_330 : memref<2048xf32, #tpu.memory_space<vmem>>) target(%dma_start3A_328 : memref<2048xf32, #tpu.memory_space<hbm>>) target_semaphore(%arg16 : memref<!tpu.dma_semaphore, #tpu.memory_space<semaphore_mem>>)
      %mul3A_331 = arith.constant 2 : i32
      %mul3A_332 = arith.muli %multiple_of3A, %mul3A_331 : i32
      %add3A_333 = arith.constant 31457280 : i32
      %add3A_334 = arith.addi %add3A_333, %mul3A_332 : i32
      %dma_start3A_335 = arith.constant 61440 : i32
      %dma_start3A_336 = tpu.memref_slice %arg15[%dma_start3A_335] : memref<65536xf32, #tpu.memory_space<vmem>> -> memref<2048xf32, #tpu.memory_space<vmem>>
      %dma_start3A_337 = tpu.memref_slice %arg8[%add3A_334] : memref<33554432xf32, #tpu.memory_space<hbm>> -> memref<2048xf32, #tpu.memory_space<hbm>>
      %dma_start3A_338 = tpu.memref_slice %arg8[%add3A_334] : memref<33554432xf32, #tpu.memory_space<hbm>> -> memref<2048xf32, #tpu.memory_space<hbm>>
      %dma_start3A_339 = arith.constant 61440 : i32
      %dma_start3A_340 = tpu.memref_slice %arg15[%dma_start3A_339] : memref<65536xf32, #tpu.memory_space<vmem>> -> memref<2048xf32, #tpu.memory_space<vmem>>
      tpu.enqueue_dma source(%dma_start3A_340 : memref<2048xf32, #tpu.memory_space<vmem>>) target(%dma_start3A_338 : memref<2048xf32, #tpu.memory_space<hbm>>) target_semaphore(%arg16 : memref<!tpu.dma_semaphore, #tpu.memory_space<semaphore_mem>>)
      %mul3A_341 = arith.constant 2 : i32
      %mul3A_342 = arith.muli %multiple_of3A, %mul3A_341 : i32
      %add3A_343 = arith.constant 32505856 : i32
      %add3A_344 = arith.addi %add3A_343, %mul3A_342 : i32
      %dma_start3A_345 = arith.constant 63488 : i32
      %dma_start3A_346 = tpu.memref_slice %arg15[%dma_start3A_345] : memref<65536xf32, #tpu.memory_space<vmem>> -> memref<2048xf32, #tpu.memory_space<vmem>>
      %dma_start3A_347 = tpu.memref_slice %arg8[%add3A_344] : memref<33554432xf32, #tpu.memory_space<hbm>> -> memref<2048xf32, #tpu.memory_space<hbm>>
      %dma_start3A_348 = tpu.memref_slice %arg8[%add3A_344] : memref<33554432xf32, #tpu.memory_space<hbm>> -> memref<2048xf32, #tpu.memory_space<hbm>>
      %dma_start3A_349 = arith.constant 63488 : i32
      %dma_start3A_350 = tpu.memref_slice %arg15[%dma_start3A_349] : memref<65536xf32, #tpu.memory_space<vmem>> -> memref<2048xf32, #tpu.memory_space<vmem>>
      tpu.enqueue_dma source(%dma_start3A_350 : memref<2048xf32, #tpu.memory_space<vmem>>) target(%dma_start3A_348 : memref<2048xf32, #tpu.memory_space<hbm>>) target_semaphore(%arg16 : memref<!tpu.dma_semaphore, #tpu.memory_space<semaphore_mem>>)
      %dma_wait3A_351 = arith.constant 0 : i32
      %dma_wait3A_352 = tpu.memref_slice %arg15[%dma_wait3A_351] : memref<65536xf32, #tpu.memory_space<vmem>> -> memref<2048xf32, #tpu.memory_space<vmem>>
      %dma_wait3A_353 = tpu.memref_slice %arg8[%add3A_34] : memref<33554432xf32, #tpu.memory_space<hbm>> -> memref<2048xf32, #tpu.memory_space<hbm>>
      %dma_wait3A_354 = tpu.memref_slice %arg8[%add3A_34] : memref<33554432xf32, #tpu.memory_space<hbm>> -> memref<2048xf32, #tpu.memory_space<hbm>>
      %dma_wait3A_355 = arith.constant 0 : i32
      %dma_wait3A_356 = tpu.memref_slice %arg15[%dma_wait3A_355] : memref<65536xf32, #tpu.memory_space<vmem>> -> memref<2048xf32, #tpu.memory_space<vmem>>
      tpu.wait_dma2 semaphore(%arg16 : memref<!tpu.dma_semaphore, #tpu.memory_space<semaphore_mem>>) src(%dma_wait3A_356 : memref<2048xf32, #tpu.memory_space<vmem>>) dst(%dma_wait3A_354 : memref<2048xf32, #tpu.memory_space<hbm>>)
      %dma_wait3A_357 = arith.constant 2048 : i32
      %dma_wait3A_358 = tpu.memref_slice %arg15[%dma_wait3A_357] : memref<65536xf32, #tpu.memory_space<vmem>> -> memref<2048xf32, #tpu.memory_space<vmem>>
      %dma_wait3A_359 = tpu.memref_slice %arg8[%add3A_44] : memref<33554432xf32, #tpu.memory_space<hbm>> -> memref<2048xf32, #tpu.memory_space<hbm>>
      %dma_wait3A_360 = tpu.memref_slice %arg8[%add3A_44] : memref<33554432xf32, #tpu.memory_space<hbm>> -> memref<2048xf32, #tpu.memory_space<hbm>>
      %dma_wait3A_361 = arith.constant 2048 : i32
      %dma_wait3A_362 = tpu.memref_slice %arg15[%dma_wait3A_361] : memref<65536xf32, #tpu.memory_space<vmem>> -> memref<2048xf32, #tpu.memory_space<vmem>>
      tpu.wait_dma2 semaphore(%arg16 : memref<!tpu.dma_semaphore, #tpu.memory_space<semaphore_mem>>) src(%dma_wait3A_362 : memref<2048xf32, #tpu.memory_space<vmem>>) dst(%dma_wait3A_360 : memref<2048xf32, #tpu.memory_space<hbm>>)
      %dma_wait3A_363 = arith.constant 4096 : i32
      %dma_wait3A_364 = tpu.memref_slice %arg15[%dma_wait3A_363] : memref<65536xf32, #tpu.memory_space<vmem>> -> memref<2048xf32, #tpu.memory_space<vmem>>
      %dma_wait3A_365 = tpu.memref_slice %arg8[%add3A_54] : memref<33554432xf32, #tpu.memory_space<hbm>> -> memref<2048xf32, #tpu.memory_space<hbm>>
      %dma_wait3A_366 = tpu.memref_slice %arg8[%add3A_54] : memref<33554432xf32, #tpu.memory_space<hbm>> -> memref<2048xf32, #tpu.memory_space<hbm>>
      %dma_wait3A_367 = arith.constant 4096 : i32
      %dma_wait3A_368 = tpu.memref_slice %arg15[%dma_wait3A_367] : memref<65536xf32, #tpu.memory_space<vmem>> -> memref<2048xf32, #tpu.memory_space<vmem>>
      tpu.wait_dma2 semaphore(%arg16 : memref<!tpu.dma_semaphore, #tpu.memory_space<semaphore_mem>>) src(%dma_wait3A_368 : memref<2048xf32, #tpu.memory_space<vmem>>) dst(%dma_wait3A_366 : memref<2048xf32, #tpu.memory_space<hbm>>)
      %dma_wait3A_369 = arith.constant 6144 : i32
      %dma_wait3A_370 = tpu.memref_slice %arg15[%dma_wait3A_369] : memref<65536xf32, #tpu.memory_space<vmem>> -> memref<2048xf32, #tpu.memory_space<vmem>>
      %dma_wait3A_371 = tpu.memref_slice %arg8[%add3A_64] : memref<33554432xf32, #tpu.memory_space<hbm>> -> memref<2048xf32, #tpu.memory_space<hbm>>
      %dma_wait3A_372 = tpu.memref_slice %arg8[%add3A_64] : memref<33554432xf32, #tpu.memory_space<hbm>> -> memref<2048xf32, #tpu.memory_space<hbm>>
      %dma_wait3A_373 = arith.constant 6144 : i32
      %dma_wait3A_374 = tpu.memref_slice %arg15[%dma_wait3A_373] : memref<65536xf32, #tpu.memory_space<vmem>> -> memref<2048xf32, #tpu.memory_space<vmem>>
      tpu.wait_dma2 semaphore(%arg16 : memref<!tpu.dma_semaphore, #tpu.memory_space<semaphore_mem>>) src(%dma_wait3A_374 : memref<2048xf32, #tpu.memory_space<vmem>>) dst(%dma_wait3A_372 : memref<2048xf32, #tpu.memory_space<hbm>>)
      %dma_wait3A_375 = arith.constant 8192 : i32
      %dma_wait3A_376 = tpu.memref_slice %arg15[%dma_wait3A_375] : memref<65536xf32, #tpu.memory_space<vmem>> -> memref<2048xf32, #tpu.memory_space<vmem>>
      %dma_wait3A_377 = tpu.memref_slice %arg8[%add3A_74] : memref<33554432xf32, #tpu.memory_space<hbm>> -> memref<2048xf32, #tpu.memory_space<hbm>>
      %dma_wait3A_378 = tpu.memref_slice %arg8[%add3A_74] : memref<33554432xf32, #tpu.memory_space<hbm>> -> memref<2048xf32, #tpu.memory_space<hbm>>
      %dma_wait3A_379 = arith.constant 8192 : i32
      %dma_wait3A_380 = tpu.memref_slice %arg15[%dma_wait3A_379] : memref<65536xf32, #tpu.memory_space<vmem>> -> memref<2048xf32, #tpu.memory_space<vmem>>
      tpu.wait_dma2 semaphore(%arg16 : memref<!tpu.dma_semaphore, #tpu.memory_space<semaphore_mem>>) src(%dma_wait3A_380 : memref<2048xf32, #tpu.memory_space<vmem>>) dst(%dma_wait3A_378 : memref<2048xf32, #tpu.memory_space<hbm>>)
      %dma_wait3A_381 = arith.constant 10240 : i32
      %dma_wait3A_382 = tpu.memref_slice %arg15[%dma_wait3A_381] : memref<65536xf32, #tpu.memory_space<vmem>> -> memref<2048xf32, #tpu.memory_space<vmem>>
      %dma_wait3A_383 = tpu.memref_slice %arg8[%add3A_84] : memref<33554432xf32, #tpu.memory_space<hbm>> -> memref<2048xf32, #tpu.memory_space<hbm>>
      %dma_wait3A_384 = tpu.memref_slice %arg8[%add3A_84] : memref<33554432xf32, #tpu.memory_space<hbm>> -> memref<2048xf32, #tpu.memory_space<hbm>>
      %dma_wait3A_385 = arith.constant 10240 : i32
      %dma_wait3A_386 = tpu.memref_slice %arg15[%dma_wait3A_385] : memref<65536xf32, #tpu.memory_space<vmem>> -> memref<2048xf32, #tpu.memory_space<vmem>>
      tpu.wait_dma2 semaphore(%arg16 : memref<!tpu.dma_semaphore, #tpu.memory_space<semaphore_mem>>) src(%dma_wait3A_386 : memref<2048xf32, #tpu.memory_space<vmem>>) dst(%dma_wait3A_384 : memref<2048xf32, #tpu.memory_space<hbm>>)
      %dma_wait3A_387 = arith.constant 12288 : i32
      %dma_wait3A_388 = tpu.memref_slice %arg15[%dma_wait3A_387] : memref<65536xf32, #tpu.memory_space<vmem>> -> memref<2048xf32, #tpu.memory_space<vmem>>
      %dma_wait3A_389 = tpu.memref_slice %arg8[%add3A_94] : memref<33554432xf32, #tpu.memory_space<hbm>> -> memref<2048xf32, #tpu.memory_space<hbm>>
      %dma_wait3A_390 = tpu.memref_slice %arg8[%add3A_94] : memref<33554432xf32, #tpu.memory_space<hbm>> -> memref<2048xf32, #tpu.memory_space<hbm>>
      %dma_wait3A_391 = arith.constant 12288 : i32
      %dma_wait3A_392 = tpu.memref_slice %arg15[%dma_wait3A_391] : memref<65536xf32, #tpu.memory_space<vmem>> -> memref<2048xf32, #tpu.memory_space<vmem>>
      tpu.wait_dma2 semaphore(%arg16 : memref<!tpu.dma_semaphore, #tpu.memory_space<semaphore_mem>>) src(%dma_wait3A_392 : memref<2048xf32, #tpu.memory_space<vmem>>) dst(%dma_wait3A_390 : memref<2048xf32, #tpu.memory_space<hbm>>)
      %dma_wait3A_393 = arith.constant 14336 : i32
      %dma_wait3A_394 = tpu.memref_slice %arg15[%dma_wait3A_393] : memref<65536xf32, #tpu.memory_space<vmem>> -> memref<2048xf32, #tpu.memory_space<vmem>>
      %dma_wait3A_395 = tpu.memref_slice %arg8[%add3A_104] : memref<33554432xf32, #tpu.memory_space<hbm>> -> memref<2048xf32, #tpu.memory_space<hbm>>
      %dma_wait3A_396 = tpu.memref_slice %arg8[%add3A_104] : memref<33554432xf32, #tpu.memory_space<hbm>> -> memref<2048xf32, #tpu.memory_space<hbm>>
      %dma_wait3A_397 = arith.constant 14336 : i32
      %dma_wait3A_398 = tpu.memref_slice %arg15[%dma_wait3A_397] : memref<65536xf32, #tpu.memory_space<vmem>> -> memref<2048xf32, #tpu.memory_space<vmem>>
      tpu.wait_dma2 semaphore(%arg16 : memref<!tpu.dma_semaphore, #tpu.memory_space<semaphore_mem>>) src(%dma_wait3A_398 : memref<2048xf32, #tpu.memory_space<vmem>>) dst(%dma_wait3A_396 : memref<2048xf32, #tpu.memory_space<hbm>>)
      %dma_wait3A_399 = arith.constant 16384 : i32
      %dma_wait3A_400 = tpu.memref_slice %arg15[%dma_wait3A_399] : memref<65536xf32, #tpu.memory_space<vmem>> -> memref<2048xf32, #tpu.memory_space<vmem>>
      %dma_wait3A_401 = tpu.memref_slice %arg8[%add3A_114] : memref<33554432xf32, #tpu.memory_space<hbm>> -> memref<2048xf32, #tpu.memory_space<hbm>>
      %dma_wait3A_402 = tpu.memref_slice %arg8[%add3A_114] : memref<33554432xf32, #tpu.memory_space<hbm>> -> memref<2048xf32, #tpu.memory_space<hbm>>
      %dma_wait3A_403 = arith.constant 16384 : i32
      %dma_wait3A_404 = tpu.memref_slice %arg15[%dma_wait3A_403] : memref<65536xf32, #tpu.memory_space<vmem>> -> memref<2048xf32, #tpu.memory_space<vmem>>
      tpu.wait_dma2 semaphore(%arg16 : memref<!tpu.dma_semaphore, #tpu.memory_space<semaphore_mem>>) src(%dma_wait3A_404 : memref<2048xf32, #tpu.memory_space<vmem>>) dst(%dma_wait3A_402 : memref<2048xf32, #tpu.memory_space<hbm>>)
      %dma_wait3A_405 = arith.constant 18432 : i32
      %dma_wait3A_406 = tpu.memref_slice %arg15[%dma_wait3A_405] : memref<65536xf32, #tpu.memory_space<vmem>> -> memref<2048xf32, #tpu.memory_space<vmem>>
      %dma_wait3A_407 = tpu.memref_slice %arg8[%add3A_124] : memref<33554432xf32, #tpu.memory_space<hbm>> -> memref<2048xf32, #tpu.memory_space<hbm>>
      %dma_wait3A_408 = tpu.memref_slice %arg8[%add3A_124] : memref<33554432xf32, #tpu.memory_space<hbm>> -> memref<2048xf32, #tpu.memory_space<hbm>>
      %dma_wait3A_409 = arith.constant 18432 : i32
      %dma_wait3A_410 = tpu.memref_slice %arg15[%dma_wait3A_409] : memref<65536xf32, #tpu.memory_space<vmem>> -> memref<2048xf32, #tpu.memory_space<vmem>>
      tpu.wait_dma2 semaphore(%arg16 : memref<!tpu.dma_semaphore, #tpu.memory_space<semaphore_mem>>) src(%dma_wait3A_410 : memref<2048xf32, #tpu.memory_space<vmem>>) dst(%dma_wait3A_408 : memref<2048xf32, #tpu.memory_space<hbm>>)
      %dma_wait3A_411 = arith.constant 20480 : i32
      %dma_wait3A_412 = tpu.memref_slice %arg15[%dma_wait3A_411] : memref<65536xf32, #tpu.memory_space<vmem>> -> memref<2048xf32, #tpu.memory_space<vmem>>
      %dma_wait3A_413 = tpu.memref_slice %arg8[%add3A_134] : memref<33554432xf32, #tpu.memory_space<hbm>> -> memref<2048xf32, #tpu.memory_space<hbm>>
      %dma_wait3A_414 = tpu.memref_slice %arg8[%add3A_134] : memref<33554432xf32, #tpu.memory_space<hbm>> -> memref<2048xf32, #tpu.memory_space<hbm>>
      %dma_wait3A_415 = arith.constant 20480 : i32
      %dma_wait3A_416 = tpu.memref_slice %arg15[%dma_wait3A_415] : memref<65536xf32, #tpu.memory_space<vmem>> -> memref<2048xf32, #tpu.memory_space<vmem>>
      tpu.wait_dma2 semaphore(%arg16 : memref<!tpu.dma_semaphore, #tpu.memory_space<semaphore_mem>>) src(%dma_wait3A_416 : memref<2048xf32, #tpu.memory_space<vmem>>) dst(%dma_wait3A_414 : memref<2048xf32, #tpu.memory_space<hbm>>)
      %dma_wait3A_417 = arith.constant 22528 : i32
      %dma_wait3A_418 = tpu.memref_slice %arg15[%dma_wait3A_417] : memref<65536xf32, #tpu.memory_space<vmem>> -> memref<2048xf32, #tpu.memory_space<vmem>>
      %dma_wait3A_419 = tpu.memref_slice %arg8[%add3A_144] : memref<33554432xf32, #tpu.memory_space<hbm>> -> memref<2048xf32, #tpu.memory_space<hbm>>
      %dma_wait3A_420 = tpu.memref_slice %arg8[%add3A_144] : memref<33554432xf32, #tpu.memory_space<hbm>> -> memref<2048xf32, #tpu.memory_space<hbm>>
      %dma_wait3A_421 = arith.constant 22528 : i32
      %dma_wait3A_422 = tpu.memref_slice %arg15[%dma_wait3A_421] : memref<65536xf32, #tpu.memory_space<vmem>> -> memref<2048xf32, #tpu.memory_space<vmem>>
      tpu.wait_dma2 semaphore(%arg16 : memref<!tpu.dma_semaphore, #tpu.memory_space<semaphore_mem>>) src(%dma_wait3A_422 : memref<2048xf32, #tpu.memory_space<vmem>>) dst(%dma_wait3A_420 : memref<2048xf32, #tpu.memory_space<hbm>>)
      %dma_wait3A_423 = arith.constant 24576 : i32
      %dma_wait3A_424 = tpu.memref_slice %arg15[%dma_wait3A_423] : memref<65536xf32, #tpu.memory_space<vmem>> -> memref<2048xf32, #tpu.memory_space<vmem>>
      %dma_wait3A_425 = tpu.memref_slice %arg8[%add3A_154] : memref<33554432xf32, #tpu.memory_space<hbm>> -> memref<2048xf32, #tpu.memory_space<hbm>>
      %dma_wait3A_426 = tpu.memref_slice %arg8[%add3A_154] : memref<33554432xf32, #tpu.memory_space<hbm>> -> memref<2048xf32, #tpu.memory_space<hbm>>
      %dma_wait3A_427 = arith.constant 24576 : i32
      %dma_wait3A_428 = tpu.memref_slice %arg15[%dma_wait3A_427] : memref<65536xf32, #tpu.memory_space<vmem>> -> memref<2048xf32, #tpu.memory_space<vmem>>
      tpu.wait_dma2 semaphore(%arg16 : memref<!tpu.dma_semaphore, #tpu.memory_space<semaphore_mem>>) src(%dma_wait3A_428 : memref<2048xf32, #tpu.memory_space<vmem>>) dst(%dma_wait3A_426 : memref<2048xf32, #tpu.memory_space<hbm>>)
      %dma_wait3A_429 = arith.constant 26624 : i32
      %dma_wait3A_430 = tpu.memref_slice %arg15[%dma_wait3A_429] : memref<65536xf32, #tpu.memory_space<vmem>> -> memref<2048xf32, #tpu.memory_space<vmem>>
      %dma_wait3A_431 = tpu.memref_slice %arg8[%add3A_164] : memref<33554432xf32, #tpu.memory_space<hbm>> -> memref<2048xf32, #tpu.memory_space<hbm>>
      %dma_wait3A_432 = tpu.memref_slice %arg8[%add3A_164] : memref<33554432xf32, #tpu.memory_space<hbm>> -> memref<2048xf32, #tpu.memory_space<hbm>>
      %dma_wait3A_433 = arith.constant 26624 : i32
      %dma_wait3A_434 = tpu.memref_slice %arg15[%dma_wait3A_433] : memref<65536xf32, #tpu.memory_space<vmem>> -> memref<2048xf32, #tpu.memory_space<vmem>>
      tpu.wait_dma2 semaphore(%arg16 : memref<!tpu.dma_semaphore, #tpu.memory_space<semaphore_mem>>) src(%dma_wait3A_434 : memref<2048xf32, #tpu.memory_space<vmem>>) dst(%dma_wait3A_432 : memref<2048xf32, #tpu.memory_space<hbm>>)
      %dma_wait3A_435 = arith.constant 28672 : i32
      %dma_wait3A_436 = tpu.memref_slice %arg15[%dma_wait3A_435] : memref<65536xf32, #tpu.memory_space<vmem>> -> memref<2048xf32, #tpu.memory_space<vmem>>
      %dma_wait3A_437 = tpu.memref_slice %arg8[%add3A_174] : memref<33554432xf32, #tpu.memory_space<hbm>> -> memref<2048xf32, #tpu.memory_space<hbm>>
      %dma_wait3A_438 = tpu.memref_slice %arg8[%add3A_174] : memref<33554432xf32, #tpu.memory_space<hbm>> -> memref<2048xf32, #tpu.memory_space<hbm>>
      %dma_wait3A_439 = arith.constant 28672 : i32
      %dma_wait3A_440 = tpu.memref_slice %arg15[%dma_wait3A_439] : memref<65536xf32, #tpu.memory_space<vmem>> -> memref<2048xf32, #tpu.memory_space<vmem>>
      tpu.wait_dma2 semaphore(%arg16 : memref<!tpu.dma_semaphore, #tpu.memory_space<semaphore_mem>>) src(%dma_wait3A_440 : memref<2048xf32, #tpu.memory_space<vmem>>) dst(%dma_wait3A_438 : memref<2048xf32, #tpu.memory_space<hbm>>)
      %dma_wait3A_441 = arith.constant 30720 : i32
      %dma_wait3A_442 = tpu.memref_slice %arg15[%dma_wait3A_441] : memref<65536xf32, #tpu.memory_space<vmem>> -> memref<2048xf32, #tpu.memory_space<vmem>>
      %dma_wait3A_443 = tpu.memref_slice %arg8[%add3A_184] : memref<33554432xf32, #tpu.memory_space<hbm>> -> memref<2048xf32, #tpu.memory_space<hbm>>
      %dma_wait3A_444 = tpu.memref_slice %arg8[%add3A_184] : memref<33554432xf32, #tpu.memory_space<hbm>> -> memref<2048xf32, #tpu.memory_space<hbm>>
      %dma_wait3A_445 = arith.constant 30720 : i32
      %dma_wait3A_446 = tpu.memref_slice %arg15[%dma_wait3A_445] : memref<65536xf32, #tpu.memory_space<vmem>> -> memref<2048xf32, #tpu.memory_space<vmem>>
      tpu.wait_dma2 semaphore(%arg16 : memref<!tpu.dma_semaphore, #tpu.memory_space<semaphore_mem>>) src(%dma_wait3A_446 : memref<2048xf32, #tpu.memory_space<vmem>>) dst(%dma_wait3A_444 : memref<2048xf32, #tpu.memory_space<hbm>>)
      %dma_wait3A_447 = arith.constant 32768 : i32
      %dma_wait3A_448 = tpu.memref_slice %arg15[%dma_wait3A_447] : memref<65536xf32, #tpu.memory_space<vmem>> -> memref<2048xf32, #tpu.memory_space<vmem>>
      %dma_wait3A_449 = tpu.memref_slice %arg8[%add3A_194] : memref<33554432xf32, #tpu.memory_space<hbm>> -> memref<2048xf32, #tpu.memory_space<hbm>>
      %dma_wait3A_450 = tpu.memref_slice %arg8[%add3A_194] : memref<33554432xf32, #tpu.memory_space<hbm>> -> memref<2048xf32, #tpu.memory_space<hbm>>
      %dma_wait3A_451 = arith.constant 32768 : i32
      %dma_wait3A_452 = tpu.memref_slice %arg15[%dma_wait3A_451] : memref<65536xf32, #tpu.memory_space<vmem>> -> memref<2048xf32, #tpu.memory_space<vmem>>
      tpu.wait_dma2 semaphore(%arg16 : memref<!tpu.dma_semaphore, #tpu.memory_space<semaphore_mem>>) src(%dma_wait3A_452 : memref<2048xf32, #tpu.memory_space<vmem>>) dst(%dma_wait3A_450 : memref<2048xf32, #tpu.memory_space<hbm>>)
      %dma_wait3A_453 = arith.constant 34816 : i32
      %dma_wait3A_454 = tpu.memref_slice %arg15[%dma_wait3A_453] : memref<65536xf32, #tpu.memory_space<vmem>> -> memref<2048xf32, #tpu.memory_space<vmem>>
      %dma_wait3A_455 = tpu.memref_slice %arg8[%add3A_204] : memref<33554432xf32, #tpu.memory_space<hbm>> -> memref<2048xf32, #tpu.memory_space<hbm>>
      %dma_wait3A_456 = tpu.memref_slice %arg8[%add3A_204] : memref<33554432xf32, #tpu.memory_space<hbm>> -> memref<2048xf32, #tpu.memory_space<hbm>>
      %dma_wait3A_457 = arith.constant 34816 : i32
      %dma_wait3A_458 = tpu.memref_slice %arg15[%dma_wait3A_457] : memref<65536xf32, #tpu.memory_space<vmem>> -> memref<2048xf32, #tpu.memory_space<vmem>>
      tpu.wait_dma2 semaphore(%arg16 : memref<!tpu.dma_semaphore, #tpu.memory_space<semaphore_mem>>) src(%dma_wait3A_458 : memref<2048xf32, #tpu.memory_space<vmem>>) dst(%dma_wait3A_456 : memref<2048xf32, #tpu.memory_space<hbm>>)
      %dma_wait3A_459 = arith.constant 36864 : i32
      %dma_wait3A_460 = tpu.memref_slice %arg15[%dma_wait3A_459] : memref<65536xf32, #tpu.memory_space<vmem>> -> memref<2048xf32, #tpu.memory_space<vmem>>
      %dma_wait3A_461 = tpu.memref_slice %arg8[%add3A_214] : memref<33554432xf32, #tpu.memory_space<hbm>> -> memref<2048xf32, #tpu.memory_space<hbm>>
      %dma_wait3A_462 = tpu.memref_slice %arg8[%add3A_214] : memref<33554432xf32, #tpu.memory_space<hbm>> -> memref<2048xf32, #tpu.memory_space<hbm>>
      %dma_wait3A_463 = arith.constant 36864 : i32
      %dma_wait3A_464 = tpu.memref_slice %arg15[%dma_wait3A_463] : memref<65536xf32, #tpu.memory_space<vmem>> -> memref<2048xf32, #tpu.memory_space<vmem>>
      tpu.wait_dma2 semaphore(%arg16 : memref<!tpu.dma_semaphore, #tpu.memory_space<semaphore_mem>>) src(%dma_wait3A_464 : memref<2048xf32, #tpu.memory_space<vmem>>) dst(%dma_wait3A_462 : memref<2048xf32, #tpu.memory_space<hbm>>)
      %dma_wait3A_465 = arith.constant 38912 : i32
      %dma_wait3A_466 = tpu.memref_slice %arg15[%dma_wait3A_465] : memref<65536xf32, #tpu.memory_space<vmem>> -> memref<2048xf32, #tpu.memory_space<vmem>>
      %dma_wait3A_467 = tpu.memref_slice %arg8[%add3A_224] : memref<33554432xf32, #tpu.memory_space<hbm>> -> memref<2048xf32, #tpu.memory_space<hbm>>
      %dma_wait3A_468 = tpu.memref_slice %arg8[%add3A_224] : memref<33554432xf32, #tpu.memory_space<hbm>> -> memref<2048xf32, #tpu.memory_space<hbm>>
      %dma_wait3A_469 = arith.constant 38912 : i32
      %dma_wait3A_470 = tpu.memref_slice %arg15[%dma_wait3A_469] : memref<65536xf32, #tpu.memory_space<vmem>> -> memref<2048xf32, #tpu.memory_space<vmem>>
      tpu.wait_dma2 semaphore(%arg16 : memref<!tpu.dma_semaphore, #tpu.memory_space<semaphore_mem>>) src(%dma_wait3A_470 : memref<2048xf32, #tpu.memory_space<vmem>>) dst(%dma_wait3A_468 : memref<2048xf32, #tpu.memory_space<hbm>>)
      %dma_wait3A_471 = arith.constant 40960 : i32
      %dma_wait3A_472 = tpu.memref_slice %arg15[%dma_wait3A_471] : memref<65536xf32, #tpu.memory_space<vmem>> -> memref<2048xf32, #tpu.memory_space<vmem>>
      %dma_wait3A_473 = tpu.memref_slice %arg8[%add3A_234] : memref<33554432xf32, #tpu.memory_space<hbm>> -> memref<2048xf32, #tpu.memory_space<hbm>>
      %dma_wait3A_474 = tpu.memref_slice %arg8[%add3A_234] : memref<33554432xf32, #tpu.memory_space<hbm>> -> memref<2048xf32, #tpu.memory_space<hbm>>
      %dma_wait3A_475 = arith.constant 40960 : i32
      %dma_wait3A_476 = tpu.memref_slice %arg15[%dma_wait3A_475] : memref<65536xf32, #tpu.memory_space<vmem>> -> memref<2048xf32, #tpu.memory_space<vmem>>
      tpu.wait_dma2 semaphore(%arg16 : memref<!tpu.dma_semaphore, #tpu.memory_space<semaphore_mem>>) src(%dma_wait3A_476 : memref<2048xf32, #tpu.memory_space<vmem>>) dst(%dma_wait3A_474 : memref<2048xf32, #tpu.memory_space<hbm>>)
      %dma_wait3A_477 = arith.constant 43008 : i32
      %dma_wait3A_478 = tpu.memref_slice %arg15[%dma_wait3A_477] : memref<65536xf32, #tpu.memory_space<vmem>> -> memref<2048xf32, #tpu.memory_space<vmem>>
      %dma_wait3A_479 = tpu.memref_slice %arg8[%add3A_244] : memref<33554432xf32, #tpu.memory_space<hbm>> -> memref<2048xf32, #tpu.memory_space<hbm>>
      %dma_wait3A_480 = tpu.memref_slice %arg8[%add3A_244] : memref<33554432xf32, #tpu.memory_space<hbm>> -> memref<2048xf32, #tpu.memory_space<hbm>>
      %dma_wait3A_481 = arith.constant 43008 : i32
      %dma_wait3A_482 = tpu.memref_slice %arg15[%dma_wait3A_481] : memref<65536xf32, #tpu.memory_space<vmem>> -> memref<2048xf32, #tpu.memory_space<vmem>>
      tpu.wait_dma2 semaphore(%arg16 : memref<!tpu.dma_semaphore, #tpu.memory_space<semaphore_mem>>) src(%dma_wait3A_482 : memref<2048xf32, #tpu.memory_space<vmem>>) dst(%dma_wait3A_480 : memref<2048xf32, #tpu.memory_space<hbm>>)
      %dma_wait3A_483 = arith.constant 45056 : i32
      %dma_wait3A_484 = tpu.memref_slice %arg15[%dma_wait3A_483] : memref<65536xf32, #tpu.memory_space<vmem>> -> memref<2048xf32, #tpu.memory_space<vmem>>
      %dma_wait3A_485 = tpu.memref_slice %arg8[%add3A_254] : memref<33554432xf32, #tpu.memory_space<hbm>> -> memref<2048xf32, #tpu.memory_space<hbm>>
      %dma_wait3A_486 = tpu.memref_slice %arg8[%add3A_254] : memref<33554432xf32, #tpu.memory_space<hbm>> -> memref<2048xf32, #tpu.memory_space<hbm>>
      %dma_wait3A_487 = arith.constant 45056 : i32
      %dma_wait3A_488 = tpu.memref_slice %arg15[%dma_wait3A_487] : memref<65536xf32, #tpu.memory_space<vmem>> -> memref<2048xf32, #tpu.memory_space<vmem>>
      tpu.wait_dma2 semaphore(%arg16 : memref<!tpu.dma_semaphore, #tpu.memory_space<semaphore_mem>>) src(%dma_wait3A_488 : memref<2048xf32, #tpu.memory_space<vmem>>) dst(%dma_wait3A_486 : memref<2048xf32, #tpu.memory_space<hbm>>)
      %dma_wait3A_489 = arith.constant 47104 : i32
      %dma_wait3A_490 = tpu.memref_slice %arg15[%dma_wait3A_489] : memref<65536xf32, #tpu.memory_space<vmem>> -> memref<2048xf32, #tpu.memory_space<vmem>>
      %dma_wait3A_491 = tpu.memref_slice %arg8[%add3A_264] : memref<33554432xf32, #tpu.memory_space<hbm>> -> memref<2048xf32, #tpu.memory_space<hbm>>
      %dma_wait3A_492 = tpu.memref_slice %arg8[%add3A_264] : memref<33554432xf32, #tpu.memory_space<hbm>> -> memref<2048xf32, #tpu.memory_space<hbm>>
      %dma_wait3A_493 = arith.constant 47104 : i32
      %dma_wait3A_494 = tpu.memref_slice %arg15[%dma_wait3A_493] : memref<65536xf32, #tpu.memory_space<vmem>> -> memref<2048xf32, #tpu.memory_space<vmem>>
      tpu.wait_dma2 semaphore(%arg16 : memref<!tpu.dma_semaphore, #tpu.memory_space<semaphore_mem>>) src(%dma_wait3A_494 : memref<2048xf32, #tpu.memory_space<vmem>>) dst(%dma_wait3A_492 : memref<2048xf32, #tpu.memory_space<hbm>>)
      %dma_wait3A_495 = arith.constant 49152 : i32
      %dma_wait3A_496 = tpu.memref_slice %arg15[%dma_wait3A_495] : memref<65536xf32, #tpu.memory_space<vmem>> -> memref<2048xf32, #tpu.memory_space<vmem>>
      %dma_wait3A_497 = tpu.memref_slice %arg8[%add3A_274] : memref<33554432xf32, #tpu.memory_space<hbm>> -> memref<2048xf32, #tpu.memory_space<hbm>>
      %dma_wait3A_498 = tpu.memref_slice %arg8[%add3A_274] : memref<33554432xf32, #tpu.memory_space<hbm>> -> memref<2048xf32, #tpu.memory_space<hbm>>
      %dma_wait3A_499 = arith.constant 49152 : i32
      %dma_wait3A_500 = tpu.memref_slice %arg15[%dma_wait3A_499] : memref<65536xf32, #tpu.memory_space<vmem>> -> memref<2048xf32, #tpu.memory_space<vmem>>
      tpu.wait_dma2 semaphore(%arg16 : memref<!tpu.dma_semaphore, #tpu.memory_space<semaphore_mem>>) src(%dma_wait3A_500 : memref<2048xf32, #tpu.memory_space<vmem>>) dst(%dma_wait3A_498 : memref<2048xf32, #tpu.memory_space<hbm>>)
      %dma_wait3A_501 = arith.constant 51200 : i32
      %dma_wait3A_502 = tpu.memref_slice %arg15[%dma_wait3A_501] : memref<65536xf32, #tpu.memory_space<vmem>> -> memref<2048xf32, #tpu.memory_space<vmem>>
      %dma_wait3A_503 = tpu.memref_slice %arg8[%add3A_284] : memref<33554432xf32, #tpu.memory_space<hbm>> -> memref<2048xf32, #tpu.memory_space<hbm>>
      %dma_wait3A_504 = tpu.memref_slice %arg8[%add3A_284] : memref<33554432xf32, #tpu.memory_space<hbm>> -> memref<2048xf32, #tpu.memory_space<hbm>>
      %dma_wait3A_505 = arith.constant 51200 : i32
      %dma_wait3A_506 = tpu.memref_slice %arg15[%dma_wait3A_505] : memref<65536xf32, #tpu.memory_space<vmem>> -> memref<2048xf32, #tpu.memory_space<vmem>>
      tpu.wait_dma2 semaphore(%arg16 : memref<!tpu.dma_semaphore, #tpu.memory_space<semaphore_mem>>) src(%dma_wait3A_506 : memref<2048xf32, #tpu.memory_space<vmem>>) dst(%dma_wait3A_504 : memref<2048xf32, #tpu.memory_space<hbm>>)
      %dma_wait3A_507 = arith.constant 53248 : i32
      %dma_wait3A_508 = tpu.memref_slice %arg15[%dma_wait3A_507] : memref<65536xf32, #tpu.memory_space<vmem>> -> memref<2048xf32, #tpu.memory_space<vmem>>
      %dma_wait3A_509 = tpu.memref_slice %arg8[%add3A_294] : memref<33554432xf32, #tpu.memory_space<hbm>> -> memref<2048xf32, #tpu.memory_space<hbm>>
      %dma_wait3A_510 = tpu.memref_slice %arg8[%add3A_294] : memref<33554432xf32, #tpu.memory_space<hbm>> -> memref<2048xf32, #tpu.memory_space<hbm>>
      %dma_wait3A_511 = arith.constant 53248 : i32
      %dma_wait3A_512 = tpu.memref_slice %arg15[%dma_wait3A_511] : memref<65536xf32, #tpu.memory_space<vmem>> -> memref<2048xf32, #tpu.memory_space<vmem>>
      tpu.wait_dma2 semaphore(%arg16 : memref<!tpu.dma_semaphore, #tpu.memory_space<semaphore_mem>>) src(%dma_wait3A_512 : memref<2048xf32, #tpu.memory_space<vmem>>) dst(%dma_wait3A_510 : memref<2048xf32, #tpu.memory_space<hbm>>)
      %dma_wait3A_513 = arith.constant 55296 : i32
      %dma_wait3A_514 = tpu.memref_slice %arg15[%dma_wait3A_513] : memref<65536xf32, #tpu.memory_space<vmem>> -> memref<2048xf32, #tpu.memory_space<vmem>>
      %dma_wait3A_515 = tpu.memref_slice %arg8[%add3A_304] : memref<33554432xf32, #tpu.memory_space<hbm>> -> memref<2048xf32, #tpu.memory_space<hbm>>
      %dma_wait3A_516 = tpu.memref_slice %arg8[%add3A_304] : memref<33554432xf32, #tpu.memory_space<hbm>> -> memref<2048xf32, #tpu.memory_space<hbm>>
      %dma_wait3A_517 = arith.constant 55296 : i32
      %dma_wait3A_518 = tpu.memref_slice %arg15[%dma_wait3A_517] : memref<65536xf32, #tpu.memory_space<vmem>> -> memref<2048xf32, #tpu.memory_space<vmem>>
      tpu.wait_dma2 semaphore(%arg16 : memref<!tpu.dma_semaphore, #tpu.memory_space<semaphore_mem>>) src(%dma_wait3A_518 : memref<2048xf32, #tpu.memory_space<vmem>>) dst(%dma_wait3A_516 : memref<2048xf32, #tpu.memory_space<hbm>>)
      %dma_wait3A_519 = arith.constant 57344 : i32
      %dma_wait3A_520 = tpu.memref_slice %arg15[%dma_wait3A_519] : memref<65536xf32, #tpu.memory_space<vmem>> -> memref<2048xf32, #tpu.memory_space<vmem>>
      %dma_wait3A_521 = tpu.memref_slice %arg8[%add3A_314] : memref<33554432xf32, #tpu.memory_space<hbm>> -> memref<2048xf32, #tpu.memory_space<hbm>>
      %dma_wait3A_522 = tpu.memref_slice %arg8[%add3A_314] : memref<33554432xf32, #tpu.memory_space<hbm>> -> memref<2048xf32, #tpu.memory_space<hbm>>
      %dma_wait3A_523 = arith.constant 57344 : i32
      %dma_wait3A_524 = tpu.memref_slice %arg15[%dma_wait3A_523] : memref<65536xf32, #tpu.memory_space<vmem>> -> memref<2048xf32, #tpu.memory_space<vmem>>
      tpu.wait_dma2 semaphore(%arg16 : memref<!tpu.dma_semaphore, #tpu.memory_space<semaphore_mem>>) src(%dma_wait3A_524 : memref<2048xf32, #tpu.memory_space<vmem>>) dst(%dma_wait3A_522 : memref<2048xf32, #tpu.memory_space<hbm>>)
      %dma_wait3A_525 = arith.constant 59392 : i32
      %dma_wait3A_526 = tpu.memref_slice %arg15[%dma_wait3A_525] : memref<65536xf32, #tpu.memory_space<vmem>> -> memref<2048xf32, #tpu.memory_space<vmem>>
      %dma_wait3A_527 = tpu.memref_slice %arg8[%add3A_324] : memref<33554432xf32, #tpu.memory_space<hbm>> -> memref<2048xf32, #tpu.memory_space<hbm>>
      %dma_wait3A_528 = tpu.memref_slice %arg8[%add3A_324] : memref<33554432xf32, #tpu.memory_space<hbm>> -> memref<2048xf32, #tpu.memory_space<hbm>>
      %dma_wait3A_529 = arith.constant 59392 : i32
      %dma_wait3A_530 = tpu.memref_slice %arg15[%dma_wait3A_529] : memref<65536xf32, #tpu.memory_space<vmem>> -> memref<2048xf32, #tpu.memory_space<vmem>>
      tpu.wait_dma2 semaphore(%arg16 : memref<!tpu.dma_semaphore, #tpu.memory_space<semaphore_mem>>) src(%dma_wait3A_530 : memref<2048xf32, #tpu.memory_space<vmem>>) dst(%dma_wait3A_528 : memref<2048xf32, #tpu.memory_space<hbm>>)
      %dma_wait3A_531 = arith.constant 61440 : i32
      %dma_wait3A_532 = tpu.memref_slice %arg15[%dma_wait3A_531] : memref<65536xf32, #tpu.memory_space<vmem>> -> memref<2048xf32, #tpu.memory_space<vmem>>
      %dma_wait3A_533 = tpu.memref_slice %arg8[%add3A_334] : memref<33554432xf32, #tpu.memory_space<hbm>> -> memref<2048xf32, #tpu.memory_space<hbm>>
      %dma_wait3A_534 = tpu.memref_slice %arg8[%add3A_334] : memref<33554432xf32, #tpu.memory_space<hbm>> -> memref<2048xf32, #tpu.memory_space<hbm>>
      %dma_wait3A_535 = arith.constant 61440 : i32
      %dma_wait3A_536 = tpu.memref_slice %arg15[%dma_wait3A_535] : memref<65536xf32, #tpu.memory_space<vmem>> -> memref<2048xf32, #tpu.memory_space<vmem>>
      tpu.wait_dma2 semaphore(%arg16 : memref<!tpu.dma_semaphore, #tpu.memory_space<semaphore_mem>>) src(%dma_wait3A_536 : memref<2048xf32, #tpu.memory_space<vmem>>) dst(%dma_wait3A_534 : memref<2048xf32, #tpu.memory_space<hbm>>)
      %dma_wait3A_537 = arith.constant 63488 : i32
      %dma_wait3A_538 = tpu.memref_slice %arg15[%dma_wait3A_537] : memref<65536xf32, #tpu.memory_space<vmem>> -> memref<2048xf32, #tpu.memory_space<vmem>>
      %dma_wait3A_539 = tpu.memref_slice %arg8[%add3A_344] : memref<33554432xf32, #tpu.memory_space<hbm>> -> memref<2048xf32, #tpu.memory_space<hbm>>
      %dma_wait3A_540 = tpu.memref_slice %arg8[%add3A_344] : memref<33554432xf32, #tpu.memory_space<hbm>> -> memref<2048xf32, #tpu.memory_space<hbm>>
      %dma_wait3A_541 = arith.constant 63488 : i32
      %dma_wait3A_542 = tpu.memref_slice %arg15[%dma_wait3A_541] : memref<65536xf32, #tpu.memory_space<vmem>> -> memref<2048xf32, #tpu.memory_space<vmem>>
      tpu.wait_dma2 semaphore(%arg16 : memref<!tpu.dma_semaphore, #tpu.memory_space<semaphore_mem>>) src(%dma_wait3A_542 : memref<2048xf32, #tpu.memory_space<vmem>>) dst(%dma_wait3A_540 : memref<2048xf32, #tpu.memory_space<hbm>>)
    }
    %scan3A_6 = arith.constant 16 : i32
    return
  }
}

</mosaic_0001>

<sc_bundles>
// kernel: kernel.3.cloned.1.call-start
scs
__scs_entry_jumppad:
0x0: {  	(pc) =	sbr.rel $0x88, $3  }
0x1: {  	(tag) =	ssettag $0x0;
	lr =	simm.s32 $0x1  }
0x2: {  	[smem:$0x3F9D] =	sst lr;
	_ =	strace $0xD0000000  }
0x3: {  	_ = 	snop  }
0x4: {  	_ = 	snop  }
0x5: {  	_ = 	snop  }
0x6: {  	_ = 	snop  }
0x7: {  	_ = 	snop  }
__scs_overlays_trampoline_lowered:
0x8: {  	[smem:$0x3FAC] =	sst s0  }
0x9: {  	[smem:$0x3FAD] =	sst s1  }
0xa: {  	[smem:$0x3FAE] =	sst s2  }
0xb: {  	[smem:$0x3FAF] =	sst s3  }
0xc: {  	[smem:$0x3FB0] =	sst s4  }
0xd: {  	[smem:$0x3FB1] =	sst s5  }
0xe: {  	[smem:$0x3FB2] =	sst s6  }
0xf: {  	[smem:$0x3FB3] =	sst s7  }
0x10: {  	[smem:$0x3FB4] =	sst s8  }
0x11: {  	[smem:$0x3FB5] =	sst s9;
	s0 =	simm.s32 @!p0 $0x0  }
0x12: {  	s1 =	sld [smem:$0x3F9B];
	s0 =	simm.s32 @p0 $0x1  }
0x13: {  	[smem:$0x3FB6] =	sst s0;
	s0 =	simm.s32 @!p1 $0x0  }
0x14: {  	s2 =	sld [smem:$0x3F9A];
	s0 =	simm.s32 @p1 $0x1  }
0x15: {  	[smem:$0x3FB7] =	sst s0;
	s0 =	simm.s32 @!p2 $0x0  }
0x16: {  	s3 =	sld [smem:$0x3FDB];
	s0 =	simm.s32 @p2 $0x1  }
0x17: {  	s4 =	simm.s32 $0x1BF5;
	[smem:$0x3FB9] =	sst s0  }
0x18: {  	s0 =	sld [smem:$0x3F9C];
	_ =	swait.ge [sflag:s4], $0x0  }
0x19: {  	s7 =	sld [smem:$0x3F9D]  }
0x1a: {  	s8 =	sadd.s32 $0xFFFFE003, lr  }
0x1b: {  	s9 =	sadd.s32 $0xFFFFFEF7, lr;
	s5 =	simm.s32 $0xFFFFFFFF;
	p2 =	slt.u32 s8, $0xFFFFF086  }
0x1c: {  	p1 =	slt.u32 s9, $0xF7A;
	s5 =	simm.s32 @!p2 $0x0  }
0x1d: {  	s5 =	simm.s32 @p1 $0x1;
	p0 =	seq.s32 s7, s2  }
0x1e: {  	s7 =	smul.u32 @!p0 $0xF7A, s2;
	p2 =	seq.s32 @!p0 s5, $0x0  }
0x1f: {  	s9 =	smul.u32 $0xF7A, s1;
	s8 =	simm.s32 @!p0 $0x1BF5;
	p2 =	por !p2, p0  }
0x20: {  	[sflag:s8] =	ssyncset.s32 @!p0 $0xFFFFF086;
	s6 =	sadd.s32 @!p0 s3, s7;
	s7 =	simm.s32 @!p0 $0x108  }
0x21: {  	s3 =	sadd.s32 s3, s9;
	s6 =	sadd.s32 @!p0 $0x88, s6;
	s7 =	simm.s32 @p2 $0x1082  }
0x22: {  	[simem:s7], [sflag:s8] =	dma.local @!p0 [hbm:s6], $0xF7A  }
0x23: {  	s9 =	sor.u32 $0xD0000000, s2;
	s6 =	simm.s32 $0x108;
	_ =	swait.ge @!p0 [sflag:s8], $0x0  }
0x24: {  	s3 =	sadd.s32 $0x88, s3;
	s6 =	simm.s32 @!p1 $0x1082;
	[sflag:s4] =	ssyncset.s32 $0xFFFFF086  }
0x25: {  	[simem:s6], [sflag:s4] =	dma.local [hbm:s3], $0xF7A  }
0x26: {  	[smem:$0x3F9D] =	sst s1;
	(tag) =	ssettag s2;
	_ =	strace s9  }
0x27: {  	s1 =	sld [smem:$0x3FAD]  }
0x28: {  	s2 =	sld [smem:$0x3FAE]  }
0x29: {  	s4 =	sld [smem:$0x3FB0]  }
0x2a: {  	p0 =	seq.s32 s5, $0x0;
	s5 =	sld [smem:$0x3FB1]  }
0x2b: {  	s6 =	sld [smem:$0x3FB2]  }
0x2c: {  	s7 =	sld [smem:$0x3FB3]  }
0x2d: {  	s3 =	simm.s32 $0x108;
	s8 =	sld [smem:$0x3FB4]  }
0x2e: {  	s3 =	simm.s32 @!p0 $0x1082;
	s9 =	sld [smem:$0x3FB5]  }
0x2f: {  	lr =	sadd.s32 s0, s3;
	s0 =	sld [smem:$0x3FAC]  }
0x30: {  	s3 =	sld [smem:$0x3FAF]  }
0x31: {  	[smem:$0x3FB8] =	sst s10  }
0x32: {  	s10 =	sld [smem:$0x3FB6];
	_ =	sdelay $0x3  }
0x33: {  	p0 =	seq.s32 s10, $0x1;
	s10 =	sld [smem:$0x3FB8];
	_ =	sdelay $0x3  }
0x34: {  	[smem:$0x3FB8] =	sst s10  }
0x35: {  	s10 =	sld [smem:$0x3FB7];
	_ =	sdelay $0x3  }
0x36: {  	p1 =	seq.s32 s10, $0x1;
	s10 =	sld [smem:$0x3FB8];
	_ =	sdelay $0x3  }
0x37: {  	[smem:$0x3FB8] =	sst s10  }
0x38: {  	s10 =	sld [smem:$0x3FB9]  }
0x39: {  	_ = 	snop;
	(pc) =	sbr.ind lr, $3  }
0x3a: {  	_ = 	snop  }
0x3b: {  	_ = 	snop  }
0x3c: {  	p2 =	seq.s32 s10, $0x1;
	s10 =	sld [smem:$0x3FB8]  }
0x3d: {  	_ =	shalt  }
0x3e: {  	_ =	shalt  }
0x3f: {  	_ =	shalt  }
0x40: {  	_ =	shalt  }
0x41: {  	_ =	shalt  }
0x42: {  	_ =	shalt  }
0x43: {  	_ =	shalt  }
0x44: {  	_ =	shalt  }
0x45: {  	_ =	shalt  }
0x46: {  	_ =	shalt  }
0x47: {  	_ =	shalt  }
0x48: {  	_ =	shalt  }
0x49: {  	_ =	shalt  }
0x4a: {  	_ =	shalt  }
0x4b: {  	_ =	shalt  }
0x4c: {  	_ =	shalt  }
0x4d: {  	_ =	shalt  }
0x4e: {  	_ =	shalt  }
0x4f: {  	_ =	shalt  }
0x50: {  	_ =	shalt  }
0x51: {  	_ =	shalt  }
0x52: {  	_ =	shalt  }
0x53: {  	_ =	shalt  }
0x54: {  	_ =	shalt  }
0x55: {  	_ =	shalt  }
0x56: {  	_ =	shalt  }
0x57: {  	_ =	shalt  }
0x58: {  	_ =	shalt  }
0x59: {  	_ =	shalt  }
0x5a: {  	_ =	shalt  }
0x5b: {  	_ =	shalt  }
0x5c: {  	_ =	shalt  }
0x5d: {  	_ =	shalt  }
0x5e: {  	_ =	shalt  }
0x5f: {  	_ =	shalt  }
0x60: {  	_ =	shalt  }
0x61: {  	_ =	shalt  }
0x62: {  	_ =	shalt  }
0x63: {  	_ =	shalt  }
0x64: {  	_ =	shalt  }
0x65: {  	_ =	shalt  }
0x66: {  	_ =	shalt  }
0x67: {  	_ =	shalt  }
0x68: {  	_ =	shalt  }
0x69: {  	_ =	shalt  }
0x6a: {  	_ =	shalt  }
0x6b: {  	_ =	shalt  }
0x6c: {  	_ =	shalt  }
0x6d: {  	_ =	shalt  }
0x6e: {  	_ =	shalt  }
0x6f: {  	_ =	shalt  }
0x70: {  	_ =	shalt  }
0x71: {  	_ =	shalt  }
0x72: {  	_ =	shalt  }
0x73: {  	_ =	shalt  }
0x74: {  	_ =	shalt  }
0x75: {  	_ =	shalt  }
0x76: {  	_ =	shalt  }
0x77: {  	_ =	shalt  }
0x78: {  	_ =	shalt  }
0x79: {  	_ =	shalt  }
0x7a: {  	_ =	shalt  }
0x7b: {  	_ =	shalt  }
0x7c: {  	_ =	shalt  }
0x7d: {  	_ =	shalt  }
0x7e: {  	_ =	shalt  }
0x7f: {  	_ =	shalt  }
0x80: {  	_ =	shalt  }
0x81: {  	_ =	shalt  }
0x82: {  	_ =	shalt  }
0x83: {  	_ =	shalt  }
0x84: {  	_ =	shalt  }
0x85: {  	_ =	shalt  }
0x86: {  	_ =	shalt  }
0x87: {  	_ =	shalt  }
.Lfunc_end0:
.L_simem_size_0:
called_computation_lowered:
.L_overlay_start_0:
0x88: {  	s2 =	sld [smem:$0x3FD9]  }
0x89: {  	s3 =	sld [smem:$0x3FFE];
	_ =	sdelay $0x1  }
0x8a: {  	s1 =	srdreg.scid  }
0x8b: {  	s0 =	sand.u32 $0x1, s1  }
0x8c: {  	s17 =	sshll.u32 s0, $0xA;
	s2 =	sadd.s32 s3, s2  }
0x8d: {  	s2 =	sadd.s32 s2, s17  }
0x8e: {  	[smem:$0x3FC4] =	sst s2  }
0x8f: {  	_ = 	snop  }
0x90: {  	s2 =	sld [smem:$0x3FD0];
	(tm) =	ssettm $0x1  }
0x91: {  	s18 =	sld [smem:$0x3FFB];
	_ =	sdelay $0x3  }
0x92: {  	_ =	strace s18  }
0x93: {  	s3 =	sld [smem:$0x3FFC];
	_ =	sdelay $0x3  }
0x94: {  	_ =	strace s3  }
0x95: {  	s3 =	sld [smem:$0x3FFD];
	_ =	sdelay $0x3  }
0x96: {  	_ =	strace s3  }
0x97: {  	_ =	strace $0x8FFFFFFF  }
0x98: {  	s19 =	sld [smem:$0x3FDB];
	_ =	sdelay $0x1  }
0x99: {  	s4 =	simm.s32 $_scs_section_size  }
0x9a: {  	s5 =	simm.s32 $_size__tile_overlayer_lowered;
	s6 =	simm.s32 $_tile_overlayer_lowered  }
0x9b: {  	s22 =	simm.s32 $0x1BFF;
	s21 =	sshll.u32 s6, $0x1;
	s3 =	sadd.s32 s4, s19  }
0x9c: {  	s7 =	simm.s32 $0x0;
	s20 =	sshll.u32 s5, $0x1;
	s5 =	sadd.s32 s21, s3  }
0x9d: {  	[timem:s7], [sflag:s22] =	dma.local [hbm:s5], s20  }
0x9e: {  	_ =	swait.ge [sflag:s22], s20  }
0x9f: {  	s4 =	ssub.s32 $0x0, s20;
	[sflag:s22] =	ssyncset.done $0x0  }
0xa0: {  	[sflag:s22] =	ssyncadd.s32 s4;
	_ =	sdelay $0x1  }
0xa1: {  	s23 =	simm.s32 $0x1B8B  }
0xa2: {  	_ =	swait.ge [sflag:s23], $0x1  }
0xa3: {  	[sflag:s23] =	ssyncset.done $0x0  }
0xa4: {  	s25 =	simm.s32 $0x1B8E;
	s24 =	sld [smem:$0x3FFE];
	[sflag:s23] =	ssyncadd.s32 $0xFFFFFFFF  }
0xa5: {  	s26 =	simm.s32 $execute0_lowered;
	[smem:$0x3FD2] =	sst s25  }
0xa6: {  	s5 =	sshll.u32 s26, $0x1;
	_ =	strace $0x80000046;
	[dreg:$0x1] =	wrdreg $0xFFFFFFFF  }
0xa7: {  	s28 =	simm.s32 $_size_execute0_lowered;
	s3 =	sadd.s32 s3, s5;
	[dreg:$0x0] =	wrdreg $0x0  }
0xa8: {  	s5 =	sshll.u32 s28, $0x1;
	[dreg:$0x2] =	wrdreg s3  }
0xa9: {  	[dreg:$0x3] =	wrdreg s5  }
0xaa: {  	[dreg:$0x4] =	wrdreg $0xC0  }
0xab: {  	_ =	task [dreg:s7], $0x5FFFF  }
0xac: {  	[dreg:$0x1] =	wrdreg $0xFFFFFFFF  }
0xad: {  	[dreg:$0x0] =	wrdreg $0x60  }
0xae: {  	[dreg:$0x2] =	wrdreg s24  }
0xaf: {  	[dreg:$0x3] =	wrdreg s2  }
0xb0: {  	[dreg:$0x4] =	wrdreg $0x9  }
0xb1: {  	_ =	task.clear_ibuf [dreg:s7], $0x5FFFF;
	_ =	strace $0x90000046  }
0xb2: {  	s29 =	simm.s32 $0x9;
	_ =	strace $0x80000048  }
0xb3: {  	_ =	swait.ge [sflag:s29], $0x1  }
0xb4: {  	[sflag:s29] =	ssyncadd.s32 $0xFFFFFFFF  }
0xb5: {  	_ =	strace $0x90000048  }
0xb6: {  	_ =	sfence  }
0xb7: {  	s30 =	sld [smem:$0x0];
	_ =	sdelay $0x2  }
0xb8: {  	s31 =	sshll.u32 s1, $0xD;
	s1 =	sshrl.u32 s1, $0x2  }
0xb9: {  	s3 =	sand.u32 $0x4000, s31;
	s1 =	sadd.s32 s1, s30  }
0xba: {  	s0 =	sor.u32 s3, s0;
	s1 =	sshll.u32 s1, $0x11  }
0xbb: {  	s0 =	sor.u32 s1, s0  }
0xbc: {  	s0 =	sadd.s32 $0x8F2B, s0  }
0xbd: {  	[sflag:s0] =	ssyncadd.remote.s32 $0x1  }
0xbe: {  	_ =	sfence.sel $0xFFFF  }
0xbf: {  	[dreg:$0x0] =	wrdreg $0xFFFFFFFF;
	(pc) =	sbr.abs _section_cstart, $3  }
0xc0: {  	[dreg:$0x1] =	wrdreg $0xFFFFFFFF  }
0xc1: {  	_ =	task.clear_ibuf [dreg:s7], $0x2FFFF;
	_ =	strace $0x9FFFFFFF  }
0xc2: {  	(tm) =	ssettm $0x7FFFFFFF  }
0xc3: {  	_ =	shalt  }
tec
execute0_lowered:
.L_overlay_start_1:
0x0: {  	(tag) =	ssettag $0x1  }
0x1: {  	s0 =	rddreg [dreg:$0x0]  }
0x2: {  	s11 =	rddreg [dreg:$0x1];
	s2 =	simm.s32 $0x0  }
0x3: {  	[smem:$0x7FF] =	sst s2;
	s1 =	sadd.s32 $0x20E00, s0  }
0x4: {  	s6 =	sadd.s32 $0x10E00, s0;
	_ =	strace $0x80000047;
	[dreg:$0x3] =	wrdreg s1  }
0x5: {  	s7 =	sadd.s32 $0xE00, s0;
	[dreg:$0x4] =	wrdreg s6  }
0x6: {  	s3 =	sadd.s32 $0x30E00, s0;
	[dreg:$0x5] =	wrdreg s7  }
0x7: {  	s9 =	sadd.s32 $0x31A00, s0;
	[dreg:$0x6] =	wrdreg s3  }
0x8: {  	s0 =	sadd.s32 $0xA00, s0;
	[dreg:$0x7] =	wrdreg s9  }
0x9: {  	s13 =	sadd.s32 $0x20000, s11;
	[dreg:$0x8] =	wrdreg s0  }
0xa: {  	s14 =	sadd.s32 $0x40000, s11;
	[dreg:$0xa] =	wrdreg s13  }
0xb: {  	s15 =	sadd.s32 $0x60000, s11;
	[dreg:$0xb] =	wrdreg s14  }
0xc: {  	s16 =	sadd.s32 $0x80000, s11;
	[dreg:$0xc] =	wrdreg s15  }
0xd: {  	s17 =	sadd.s32 $0xA0000, s11;
	[dreg:$0xd] =	wrdreg s16  }
0xe: {  	s18 =	sadd.s32 $0xC0000, s11;
	[dreg:$0xe] =	wrdreg s17  }
0xf: {  	s8 =	srdreg.scid;
	s19 =	sadd.s32 $0xE0000, s11;
	[dreg:$0xf] =	wrdreg s18  }
0x10: {  	s4 =	stileid.u32;
	s20 =	sadd.s32 $0x100000, s11;
	[dreg:$0x10] =	wrdreg s19  }
0x11: {  	s4 =	sshll.u32 s4, $0xF;
	s21 =	sadd.s32 $0x120000, s11;
	[dreg:$0x11] =	wrdreg s20  }
0x12: {  	s22 =	sadd.s32 $0x140000, s11;
	s23 =	sadd.s32 $0x160000, s11;
	[dreg:$0x12] =	wrdreg s21  }
0x13: {  	s24 =	sadd.s32 $0x180000, s11;
	s25 =	sadd.s32 $0x1A0000, s11;
	[dreg:$0x13] =	wrdreg s22  }
0x14: {  	s26 =	sadd.s32 $0x1C0000, s11;
	s28 =	sadd.s32 $0x200000, s11;
	[dreg:$0x14] =	wrdreg s23  }
0x15: {  	s29 =	sadd.s32 $0x220000, s11;
	s30 =	sadd.s32 $0x240000, s11;
	[dreg:$0x15] =	wrdreg s24  }
0x16: {  	s31 =	sadd.s32 $0x260000, s11;
	s5 =	sadd.s32 $0x3A0000, s11;
	[dreg:$0x16] =	wrdreg s25  }
0x17: {  	s1 =	sand.u32 $0x1, s8;
	[dreg:$0x17] =	wrdreg s26;
	s26 =	sadd.s32 $0x1E0000, s11  }
0x18: {  	s6 =	sadd.s32 $0x2A0000, s11;
	s7 =	sadd.s32 $0x2C0000, s11;
	s8 =	sadd.s32 $0x2E0000, s11  }
0x19: {  	s9 =	sadd.s32 $0x300000, s11;
	s25 =	sadd.s32 $0x320000, s11;
	s3 =	sadd.s32 $0x360000, s11  }
0x1a: {  	s13 =	simm.s32 $0x6C00;
	s14 =	simm.s32 $0xCC00;
	s15 =	simm.s32 $0x1  }
0x1b: {  	s17 =	simm.s32 $0x0;
	s10 =	ssub.s32 $0x2, s1;
	s1 =	sshll.u32 s1, $0xE  }
0x1c: {  	s12 =	sshrl.u32 s10, $0x1;
	s1 =	sor.u32 s1, s4;
	s4 =	sadd.s32 $0x380000, s11  }
0x1d: {  	s0 =	ssub.s32 s10, s12;
	[dreg:$0x9] =	wrdreg s1;
	s1 =	sadd.s32 $0x340000, s11  }
0x1e: {  	s10 =	sadd.s32 $0x3C0000, s11;
	s12 =	simm.s32 $0xC00;
	s0 =	smax.u32 s0, $0x1  }
0x1f: {  	[dreg:$0x18] =	wrdreg s0;
	s0 =	sadd.s32 $0x280000, s11;
	s11 =	sadd.s32 $0x3E0000, s11  }
.LBB2_1:
0x20: {  	[dreg:$0x19] =	wrdreg s17  }
0x21: {  	s16 =	rddreg [dreg:$0x6];
	s22 =	simm.s32 $0x2  }
0x22: {  	[tilespmem:s12], [sflag:$0x2] =	stream.linear.gather [hbm4b:s16+s2], $0x6000, $0x38;
	[tilespmem:$0x1EC00] =	vst v63  }
0x23: {  	_ =	swait.ge [sflag:s22], $0x6000  }
0x24: {  	[sflag:s22] =	ssyncset.done $0x0  }
0x25: {  	s23 =	rddreg [dreg:$0x7];
	[sflag:s22] =	ssyncadd.s32 $0xFFFFA000  }
0x26: {  	[tilespmem:s13], [sflag:$0x2] =	stream.linear.gather [hbm4b:s23+s2], $0x6000, $0x38;
	[tilespmem:$0x1EC00] =	vst v63  }
0x27: {  	_ =	swait.ge [sflag:s22], $0x6000  }
0x28: {  	[sflag:s22] =	ssyncset.done $0x0  }
0x29: {  	s24 =	rddreg [dreg:$0x8];
	[sflag:s22] =	ssyncadd.s32 $0xFFFFA000  }
0x2a: {  	[tilespmem:s14], [sflag:$0x2] =	stream.linear.gather [hbm4b:s24+s2], $0x2000, $0x38;
	[tilespmem:$0x1EC00] =	vst v63  }
0x2b: {  	_ =	swait.ge [sflag:s22], $0x2000  }
0x2c: {  	[sflag:s22] =	ssyncset.done $0x0  }
0x2d: {  	s16 =	simm.s32 $0x0;
	[sflag:s22] =	ssyncadd.s32 $0xFFFFE000  }
.LBB2_2:
0x2e: {  	s17 =	sshll.u32 s16, $0xA;
	s18 =	rddreg [dreg:$0x9]  }
0x2f: {  	s17 =	sadd.s32 s18, s17  }
0x30: {  	s22 =	rddreg [dreg:$0x3];
	s20 =	sshrl.u32 s17, $0x3  }
0x31: {  	s23 =	rddreg [dreg:$0x4];
	s18 =	simm.s32 $0x0;
	s19 =	sadd.s32 s22, s20  }
0x32: {  	[tilespmem:s18], [sflag:$0x1] =	stream.linear.gather [hbm4b:s19+s18], $0x400, $0x38;
	[tilespmem:$0x1EC00] =	vst v63  }
0x33: {  	s24 =	rddreg [dreg:$0x5];
	s21 =	sadd.s32 s23, s20;
	s19 =	simm.s32 $0x400  }
0x34: {  	[tilespmem:s19], [sflag:$0x1] =	stream.linear.gather [hbm4b:s21+s18], $0x400, $0x38;
	[tilespmem:$0x1EC00] =	vst v63  }
0x35: {  	s21 =	sadd.s32 s24, s20;
	s20 =	simm.s32 $0x800  }
0x36: {  	[tilespmem:s20], [sflag:$0x1] =	stream.linear.gather [hbm4b:s21+s18], $0x400, $0x38;
	[tilespmem:$0x1EC00] =	vst v63  }
0x37: {  	_ =	swait.ge [sflag:s15], $0x400  }
0x38: {  	[sflag:s15] =	ssyncset.done $0x0  }
0x39: {  	[sflag:s15] =	ssyncadd.s32 $0xFFFFFC00  }
0x3a: {  	_ =	swait.ge [sflag:s15], $0x400  }
0x3b: {  	[sflag:s15] =	ssyncset.done $0x0  }
0x3c: {  	[sflag:s15] =	ssyncadd.s32 $0xFFFFFC00  }
0x3d: {  	_ =	swait.ge [sflag:s15], $0x400  }
0x3e: {  	[sflag:s15] =	ssyncset.done $0x0  }
0x3f: {  	s22 =	simm.s32 $0x0;
	s21 =	simm.s32 $0x0;
	[sflag:s15] =	ssyncadd.s32 $0xFFFFFC00  }
.LBB2_3:
0x40: {  	v2 =	vld [tilespmem:s18+$0x0];
	_ =	sdelay $0x7  }
0x41: {  	v3 =	vld.idx.msk [tilespmem:v2+s12+$0x0], $0xffff  }
0x42: {  	v4 =	vadd.s32 $0x1, v2;
	_ =	sdelay $0x1  }
0x43: {  	s23 =	sand.u32 $0x700, s22;
	s24 =	sand.u32 $0x70, s21  }
0x44: {  	v1 =	vld [tilespmem:s19+$0x0];
	s23 =	sor.u32 s24, s23  }
0x45: {  	v0 =	vld [tilespmem:s20+$0x0];
	[tilespmem:s23+$0xEC00] =	vst v3  }
0x46: {  	v3 =	vld.idx.msk [tilespmem:v4+s12+$0x0], $0xffff  }
0x47: {  	v63 =	vadd.s32 $0x2, v2;
	_ =	sdelay $0x3  }
0x48: {  	[tilespmem:s23+$0xEC80] =	vst v3  }
0x49: {  	v3 =	vld.idx.msk [tilespmem:v63+s12+$0x0], $0xffff  }
0x4a: {  	v8 =	vadd.s32 $0x3, v2;
	_ =	sdelay $0x3  }
0x4b: {  	[tilespmem:s23+$0xF400] =	vst v3  }
0x4c: {  	v3 =	vld.idx.msk [tilespmem:v8+s12+$0x0], $0xffff  }
0x4d: {  	v9 =	vadd.s32 $0x4, v2;
	_ =	sdelay $0x3  }
0x4e: {  	[tilespmem:s23+$0xF480] =	vst v3  }
0x4f: {  	v3 =	vld.idx.msk [tilespmem:v9+s12+$0x0], $0xffff  }
0x50: {  	v10 =	vadd.s32 $0x5, v2;
	_ =	sdelay $0x3  }
0x51: {  	[tilespmem:s23+$0xFC00] =	vst v3  }
0x52: {  	v3 =	vld.idx.msk [tilespmem:v10+s12+$0x0], $0xffff  }
0x53: {  	v11 =	vadd.s32 $0x6, v2;
	_ =	sdelay $0x3  }
0x54: {  	[tilespmem:s23+$0xFC80] =	vst v3  }
0x55: {  	v3 =	vld.idx.msk [tilespmem:v11+s12+$0x0], $0xffff  }
0x56: {  	v12 =	vadd.s32 $0x7, v2;
	_ =	sdelay $0x3  }
0x57: {  	[tilespmem:s23+$0x10400] =	vst v3  }
0x58: {  	v3 =	vld.idx.msk [tilespmem:v12+s12+$0x0], $0xffff  }
0x59: {  	v13 =	vadd.s32 $0x8, v2;
	_ =	sdelay $0x3  }
0x5a: {  	[tilespmem:s23+$0x10480] =	vst v3  }
0x5b: {  	v3 =	vld.idx.msk [tilespmem:v13+s12+$0x0], $0xffff  }
0x5c: {  	v14 =	vadd.s32 $0x9, v2;
	_ =	sdelay $0x3  }
0x5d: {  	[tilespmem:s23+$0x10C00] =	vst v3  }
0x5e: {  	v3 =	vld.idx.msk [tilespmem:v14+s12+$0x0], $0xffff  }
0x5f: {  	v15 =	vadd.s32 $0xA, v2;
	_ =	sdelay $0x3  }
0x60: {  	[tilespmem:s23+$0x10C80] =	vst v3  }
0x61: {  	v3 =	vld.idx.msk [tilespmem:v15+s12+$0x0], $0xffff  }
0x62: {  	v16 =	vadd.s32 $0xB, v2;
	_ =	sdelay $0x3  }
0x63: {  	[tilespmem:s23+$0x11400] =	vst v3  }
0x64: {  	v3 =	vld.idx.msk [tilespmem:v16+s12+$0x0], $0xffff  }
0x65: {  	v17 =	vadd.s32 $0xC, v2;
	_ =	sdelay $0x3  }
0x66: {  	[tilespmem:s23+$0x11480] =	vst v3  }
0x67: {  	v3 =	vld.idx.msk [tilespmem:v17+s12+$0x0], $0xffff  }
0x68: {  	v18 =	vadd.s32 $0xD, v2;
	_ =	sdelay $0x3  }
0x69: {  	[tilespmem:s23+$0x11C00] =	vst v3  }
0x6a: {  	v3 =	vld.idx.msk [tilespmem:v18+s12+$0x0], $0xffff  }
0x6b: {  	v19 =	vadd.s32 $0xE, v2;
	_ =	sdelay $0x3  }
0x6c: {  	[tilespmem:s23+$0x11C80] =	vst v3  }
0x6d: {  	v3 =	vld.idx.msk [tilespmem:v19+s12+$0x0], $0xffff  }
0x6e: {  	v20 =	vadd.s32 $0xF, v2;
	_ =	sdelay $0x3  }
0x6f: {  	[tilespmem:s23+$0x12400] =	vst v3  }
0x70: {  	v3 =	vld.idx.msk [tilespmem:v20+s12+$0x0], $0xffff  }
0x71: {  	v21 =	vadd.s32 $0x10, v2;
	_ =	sdelay $0x3  }
0x72: {  	[tilespmem:s23+$0x12480] =	vst v3  }
0x73: {  	v3 =	vld.idx.msk [tilespmem:v21+s12+$0x0], $0xffff  }
0x74: {  	v22 =	vadd.s32 $0x11, v2;
	_ =	sdelay $0x3  }
0x75: {  	[tilespmem:s23+$0x12C00] =	vst v3  }
0x76: {  	v3 =	vld.idx.msk [tilespmem:v22+s12+$0x0], $0xffff  }
0x77: {  	v23 =	vadd.s32 $0x12, v2;
	_ =	sdelay $0x3  }
0x78: {  	[tilespmem:s23+$0x12C80] =	vst v3  }
0x79: {  	v3 =	vld.idx.msk [tilespmem:v23+s12+$0x0], $0xffff  }
0x7a: {  	v24 =	vadd.s32 $0x13, v2;
	_ =	sdelay $0x3  }
0x7b: {  	[tilespmem:s23+$0x13400] =	vst v3  }
0x7c: {  	v3 =	vld.idx.msk [tilespmem:v24+s12+$0x0], $0xffff  }
0x7d: {  	v25 =	vadd.s32 $0x14, v2;
	_ =	sdelay $0x3  }
0x7e: {  	[tilespmem:s23+$0x13480] =	vst v3  }
0x7f: {  	v3 =	vld.idx.msk [tilespmem:v25+s12+$0x0], $0xffff  }
0x80: {  	v26 =	vadd.s32 $0x15, v2;
	_ =	sdelay $0x3  }
0x81: {  	[tilespmem:s23+$0x13C00] =	vst v3  }
0x82: {  	v3 =	vld.idx.msk [tilespmem:v26+s12+$0x0], $0xffff  }
0x83: {  	v27 =	vadd.s32 $0x16, v2;
	_ =	sdelay $0x3  }
0x84: {  	[tilespmem:s23+$0x13C80] =	vst v3  }
0x85: {  	v3 =	vld.idx.msk [tilespmem:v27+s12+$0x0], $0xffff  }
0x86: {  	v2 =	vadd.s32 $0x17, v2;
	_ =	sdelay $0x3  }
0x87: {  	[tilespmem:s23+$0x14400] =	vst v3  }
0x88: {  	v2 =	vld.idx.msk [tilespmem:v2+s12+$0x0], $0xffff;
	_ =	sdelay $0x4  }
0x89: {  	[tilespmem:s23+$0x14480] =	vst v2  }
0x8a: {  	v2 =	vld.idx.msk [tilespmem:v1+s13+$0x0], $0xffff  }
0x8b: {  	v28 =	vadd.s32 $0x1, v1;
	_ =	sdelay $0x3  }
0x8c: {  	[tilespmem:s23+$0x14C00] =	vst v2  }
0x8d: {  	v2 =	vld.idx.msk [tilespmem:v28+s13+$0x0], $0xffff  }
0x8e: {  	v29 =	vadd.s32 $0x2, v1;
	_ =	sdelay $0x3  }
0x8f: {  	[tilespmem:s23+$0x14C80] =	vst v2  }
0x90: {  	v2 =	vld.idx.msk [tilespmem:v29+s13+$0x0], $0xffff  }
0x91: {  	v30 =	vadd.s32 $0x3, v1;
	_ =	sdelay $0x3  }
0x92: {  	[tilespmem:s23+$0x15400] =	vst v2  }
0x93: {  	v2 =	vld.idx.msk [tilespmem:v30+s13+$0x0], $0xffff  }
0x94: {  	v31 =	vadd.s32 $0x4, v1;
	_ =	sdelay $0x3  }
0x95: {  	[tilespmem:s23+$0x15480] =	vst v2  }
0x96: {  	v2 =	vld.idx.msk [tilespmem:v31+s13+$0x0], $0xffff  }
0x97: {  	v32 =	vadd.s32 $0x5, v1;
	_ =	sdelay $0x3  }
0x98: {  	[tilespmem:s23+$0x15C00] =	vst v2  }
0x99: {  	v2 =	vld.idx.msk [tilespmem:v32+s13+$0x0], $0xffff  }
0x9a: {  	v33 =	vadd.s32 $0x6, v1;
	_ =	sdelay $0x3  }
0x9b: {  	[tilespmem:s23+$0x15C80] =	vst v2  }
0x9c: {  	v2 =	vld.idx.msk [tilespmem:v33+s13+$0x0], $0xffff  }
0x9d: {  	v34 =	vadd.s32 $0x7, v1;
	_ =	sdelay $0x3  }
0x9e: {  	[tilespmem:s23+$0x16400] =	vst v2  }
0x9f: {  	v2 =	vld.idx.msk [tilespmem:v34+s13+$0x0], $0xffff  }
0xa0: {  	v35 =	vadd.s32 $0x8, v1;
	_ =	sdelay $0x3  }
0xa1: {  	[tilespmem:s23+$0x16480] =	vst v2  }
0xa2: {  	v2 =	vld.idx.msk [tilespmem:v35+s13+$0x0], $0xffff  }
0xa3: {  	v36 =	vadd.s32 $0x9, v1;
	_ =	sdelay $0x3  }
0xa4: {  	[tilespmem:s23+$0x16C00] =	vst v2  }
0xa5: {  	v2 =	vld.idx.msk [tilespmem:v36+s13+$0x0], $0xffff  }
0xa6: {  	v37 =	vadd.s32 $0xA, v1;
	_ =	sdelay $0x3  }
0xa7: {  	[tilespmem:s23+$0x16C80] =	vst v2  }
0xa8: {  	v2 =	vld.idx.msk [tilespmem:v37+s13+$0x0], $0xffff  }
0xa9: {  	v38 =	vadd.s32 $0xB, v1;
	_ =	sdelay $0x3  }
0xaa: {  	[tilespmem:s23+$0x17400] =	vst v2  }
0xab: {  	v2 =	vld.idx.msk [tilespmem:v38+s13+$0x0], $0xffff  }
0xac: {  	v39 =	vadd.s32 $0xC, v1;
	_ =	sdelay $0x3  }
0xad: {  	[tilespmem:s23+$0x17480] =	vst v2  }
0xae: {  	v2 =	vld.idx.msk [tilespmem:v39+s13+$0x0], $0xffff  }
0xaf: {  	v40 =	vadd.s32 $0xD, v1;
	_ =	sdelay $0x3  }
0xb0: {  	[tilespmem:s23+$0x17C00] =	vst v2  }
0xb1: {  	v2 =	vld.idx.msk [tilespmem:v40+s13+$0x0], $0xffff  }
0xb2: {  	v41 =	vadd.s32 $0xE, v1;
	_ =	sdelay $0x3  }
0xb3: {  	[tilespmem:s23+$0x17C80] =	vst v2  }
0xb4: {  	v2 =	vld.idx.msk [tilespmem:v41+s13+$0x0], $0xffff  }
0xb5: {  	v42 =	vadd.s32 $0xF, v1;
	_ =	sdelay $0x3  }
0xb6: {  	[tilespmem:s23+$0x18400] =	vst v2  }
0xb7: {  	v2 =	vld.idx.msk [tilespmem:v42+s13+$0x0], $0xffff  }
0xb8: {  	v43 =	vadd.s32 $0x10, v1;
	_ =	sdelay $0x3  }
0xb9: {  	[tilespmem:s23+$0x18480] =	vst v2  }
0xba: {  	v2 =	vld.idx.msk [tilespmem:v43+s13+$0x0], $0xffff  }
0xbb: {  	v44 =	vadd.s32 $0x11, v1;
	_ =	sdelay $0x3  }
0xbc: {  	[tilespmem:s23+$0x18C00] =	vst v2  }
0xbd: {  	v2 =	vld.idx.msk [tilespmem:v44+s13+$0x0], $0xffff  }
0xbe: {  	v45 =	vadd.s32 $0x12, v1;
	_ =	sdelay $0x3  }
0xbf: {  	[tilespmem:s23+$0x18C80] =	vst v2  }
0xc0: {  	v2 =	vld.idx.msk [tilespmem:v45+s13+$0x0], $0xffff  }
0xc1: {  	v46 =	vadd.s32 $0x13, v1;
	_ =	sdelay $0x3  }
0xc2: {  	[tilespmem:s23+$0x19400] =	vst v2  }
0xc3: {  	v2 =	vld.idx.msk [tilespmem:v46+s13+$0x0], $0xffff  }
0xc4: {  	v47 =	vadd.s32 $0x14, v1;
	_ =	sdelay $0x3  }
0xc5: {  	[tilespmem:s23+$0x19480] =	vst v2  }
0xc6: {  	v2 =	vld.idx.msk [tilespmem:v47+s13+$0x0], $0xffff  }
0xc7: {  	v48 =	vadd.s32 $0x15, v1;
	_ =	sdelay $0x3  }
0xc8: {  	[tilespmem:s23+$0x19C00] =	vst v2  }
0xc9: {  	v2 =	vld.idx.msk [tilespmem:v48+s13+$0x0], $0xffff  }
0xca: {  	v49 =	vadd.s32 $0x16, v1;
	_ =	sdelay $0x3  }
0xcb: {  	[tilespmem:s23+$0x19C80] =	vst v2  }
0xcc: {  	v2 =	vld.idx.msk [tilespmem:v49+s13+$0x0], $0xffff  }
0xcd: {  	v1 =	vadd.s32 $0x17, v1;
	_ =	sdelay $0x3  }
0xce: {  	[tilespmem:s23+$0x1A400] =	vst v2  }
0xcf: {  	v1 =	vld.idx.msk [tilespmem:v1+s13+$0x0], $0xffff;
	_ =	sdelay $0x4  }
0xd0: {  	[tilespmem:s23+$0x1A480] =	vst v1  }
0xd1: {  	v1 =	vld.idx.msk [tilespmem:v0+s14+$0x0], $0xffff  }
0xd2: {  	v50 =	vadd.s32 $0x1, v0;
	_ =	sdelay $0x3  }
0xd3: {  	[tilespmem:s23+$0x1AC00] =	vst v1  }
0xd4: {  	v1 =	vld.idx.msk [tilespmem:v50+s14+$0x0], $0xffff  }
0xd5: {  	v51 =	vadd.s32 $0x2, v0;
	_ =	sdelay $0x3  }
0xd6: {  	[tilespmem:s23+$0x1AC80] =	vst v1  }
0xd7: {  	v1 =	vld.idx.msk [tilespmem:v51+s14+$0x0], $0xffff  }
0xd8: {  	v52 =	vadd.s32 $0x3, v0;
	_ =	sdelay $0x3  }
0xd9: {  	[tilespmem:s23+$0x1B400] =	vst v1  }
0xda: {  	v1 =	vld.idx.msk [tilespmem:v52+s14+$0x0], $0xffff  }
0xdb: {  	v53 =	vadd.s32 $0x4, v0;
	_ =	sdelay $0x3  }
0xdc: {  	[tilespmem:s23+$0x1B480] =	vst v1  }
0xdd: {  	v1 =	vld.idx.msk [tilespmem:v53+s14+$0x0], $0xffff  }
0xde: {  	v54 =	vadd.s32 $0x5, v0;
	_ =	sdelay $0x3  }
0xdf: {  	[tilespmem:s23+$0x1BC00] =	vst v1  }
0xe0: {  	v1 =	vld.idx.msk [tilespmem:v54+s14+$0x0], $0xffff  }
0xe1: {  	v55 =	vadd.s32 $0x6, v0;
	_ =	sdelay $0x3  }
0xe2: {  	[tilespmem:s23+$0x1BC80] =	vst v1  }
0xe3: {  	v1 =	vld.idx.msk [tilespmem:v55+s14+$0x0], $0xffff  }
0xe4: {  	v56 =	vadd.s32 $0x7, v0;
	_ =	sdelay $0x3  }
0xe5: {  	[tilespmem:s23+$0x1C400] =	vst v1  }
0xe6: {  	v1 =	vld.idx.msk [tilespmem:v56+s14+$0x0], $0xffff  }
0xe7: {  	v57 =	vadd.s32 $0x8, v0;
	_ =	sdelay $0x3  }
0xe8: {  	[tilespmem:s23+$0x1C480] =	vst v1  }
0xe9: {  	v1 =	vld.idx.msk [tilespmem:v57+s14+$0x0], $0xffff  }
0xea: {  	v58 =	vadd.s32 $0x9, v0;
	_ =	sdelay $0x3  }
0xeb: {  	[tilespmem:s23+$0x1CC00] =	vst v1  }
0xec: {  	v1 =	vld.idx.msk [tilespmem:v58+s14+$0x0], $0xffff  }
0xed: {  	v59 =	vadd.s32 $0xA, v0;
	_ =	sdelay $0x3  }
0xee: {  	[tilespmem:s23+$0x1CC80] =	vst v1  }
0xef: {  	v1 =	vld.idx.msk [tilespmem:v59+s14+$0x0], $0xffff  }
0xf0: {  	v60 =	vadd.s32 $0xB, v0;
	_ =	sdelay $0x3  }
0xf1: {  	[tilespmem:s23+$0x1D400] =	vst v1  }
0xf2: {  	v1 =	vld.idx.msk [tilespmem:v60+s14+$0x0], $0xffff  }
0xf3: {  	v61 =	vadd.s32 $0xC, v0;
	_ =	sdelay $0x3  }
0xf4: {  	[tilespmem:s23+$0x1D480] =	vst v1  }
0xf5: {  	v1 =	vld.idx.msk [tilespmem:v61+s14+$0x0], $0xffff  }
0xf6: {  	v62 =	vadd.s32 $0xD, v0;
	_ =	sdelay $0x3  }
0xf7: {  	[tilespmem:s23+$0x1DC00] =	vst v1  }
0xf8: {  	v1 =	vld.idx.msk [tilespmem:v62+s14+$0x0], $0xffff  }
0xf9: {  	v63 =	vadd.s32 $0xE, v0;
	_ =	sdelay $0x3  }
0xfa: {  	[tilespmem:s23+$0x1DC80] =	vst v1  }
0xfb: {  	v1 =	vld.idx.msk [tilespmem:v63+s14+$0x0], $0xffff  }
0xfc: {  	v0 =	vadd.s32 $0xF, v0;
	_ =	sdelay $0x3  }
0xfd: {  	[tilespmem:s23+$0x1E400] =	vst v1  }
0xfe: {  	p0 =	sne.s32 s22, $0x7E0;
	v0 =	vld.idx.msk [tilespmem:v0+s14+$0x0], $0xffff  }
.Ltmp0:
0xff: {  	_ = 	snop;
	(pc) =	sbr.rel @p0 .LBB2_3-.Ltmp0, $3  }
0x100: {  	_ =	sdelay $0x1  }
0x101: {  	s21 =	sadd.s32 $0x10, s21;
	s18 =	sadd.s32 $0x10, s18  }
0x102: {  	s19 =	sadd.s32 $0x10, s19;
	s20 =	sadd.s32 $0x10, s20;
	s22 =	sadd.s32 $0x20, s22;
	[tilespmem:s23+$0x1E480] =	vst v0  }
0x103: {  	s17 =	sshrl.u32 s17, $0x2;
	s18 =	rddreg [dreg:$0x1]  }
0x104: {  	s19 =	simm.s32 $0xEC00;
	s23 =	rddreg [dreg:$0xa];
	s18 =	sadd.s32 s18, s17  }
0x105: {  	[hbm4b:s18+s2] =	stream.linear.scatter [tilespmem:s19], [sflag:$0x1], $0x800, $0x38;
	[tilespmem:$0x1EC00] =	vst v63  }
0x106: {  	s24 =	simm.s32 $0xF400;
	s18 =	sadd.s32 s17, s23;
	s19 =	rddreg [dreg:$0xb]  }
0x107: {  	[hbm4b:s18+s2] =	stream.linear.scatter [tilespmem:s24], [sflag:$0x1], $0x800, $0x38;
	[tilespmem:$0x1EC00] =	vst v63  }
0x108: {  	s20 =	simm.s32 $0xFC00;
	s21 =	rddreg [dreg:$0xc];
	s18 =	sadd.s32 s17, s19  }
0x109: {  	[hbm4b:s18+s2] =	stream.linear.scatter [tilespmem:s20], [sflag:$0x1], $0x800, $0x38;
	[tilespmem:$0x1EC00] =	vst v63  }
0x10a: {  	s22 =	simm.s32 $0x10400;
	s23 =	rddreg [dreg:$0xd];
	s18 =	sadd.s32 s17, s21  }
0x10b: {  	[hbm4b:s18+s2] =	stream.linear.scatter [tilespmem:s22], [sflag:$0x1], $0x800, $0x38;
	[tilespmem:$0x1EC00] =	vst v63  }
0x10c: {  	s24 =	simm.s32 $0x10C00;
	s19 =	rddreg [dreg:$0xe];
	s18 =	sadd.s32 s17, s23  }
0x10d: {  	[hbm4b:s18+s2] =	stream.linear.scatter [tilespmem:s24], [sflag:$0x1], $0x800, $0x38;
	[tilespmem:$0x1EC00] =	vst v63  }
0x10e: {  	s20 =	simm.s32 $0x11400;
	s21 =	rddreg [dreg:$0xf];
	s18 =	sadd.s32 s17, s19  }
0x10f: {  	[hbm4b:s18+s2] =	stream.linear.scatter [tilespmem:s20], [sflag:$0x1], $0x800, $0x38;
	[tilespmem:$0x1EC00] =	vst v63  }
0x110: {  	s22 =	simm.s32 $0x11C00;
	s23 =	rddreg [dreg:$0x10];
	s18 =	sadd.s32 s17, s21  }
0x111: {  	[hbm4b:s18+s2] =	stream.linear.scatter [tilespmem:s22], [sflag:$0x1], $0x800, $0x38;
	[tilespmem:$0x1EC00] =	vst v63  }
0x112: {  	s24 =	simm.s32 $0x12400;
	s19 =	rddreg [dreg:$0x11];
	s18 =	sadd.s32 s17, s23  }
0x113: {  	[hbm4b:s18+s2] =	stream.linear.scatter [tilespmem:s24], [sflag:$0x1], $0x800, $0x38;
	[tilespmem:$0x1EC00] =	vst v63  }
0x114: {  	s20 =	simm.s32 $0x12C00;
	s21 =	rddreg [dreg:$0x12];
	s18 =	sadd.s32 s17, s19  }
0x115: {  	[hbm4b:s18+s2] =	stream.linear.scatter [tilespmem:s20], [sflag:$0x1], $0x800, $0x38;
	[tilespmem:$0x1EC00] =	vst v63  }
0x116: {  	s22 =	simm.s32 $0x13400;
	s23 =	rddreg [dreg:$0x13];
	s18 =	sadd.s32 s17, s21  }
0x117: {  	[hbm4b:s18+s2] =	stream.linear.scatter [tilespmem:s22], [sflag:$0x1], $0x800, $0x38;
	[tilespmem:$0x1EC00] =	vst v63  }
0x118: {  	s24 =	simm.s32 $0x13C00;
	s19 =	rddreg [dreg:$0x14];
	s18 =	sadd.s32 s17, s23  }
0x119: {  	[hbm4b:s18+s2] =	stream.linear.scatter [tilespmem:s24], [sflag:$0x1], $0x800, $0x38;
	[tilespmem:$0x1EC00] =	vst v63  }
0x11a: {  	s20 =	simm.s32 $0x14400;
	s21 =	rddreg [dreg:$0x15];
	s18 =	sadd.s32 s17, s19  }
0x11b: {  	[hbm4b:s18+s2] =	stream.linear.scatter [tilespmem:s20], [sflag:$0x1], $0x800, $0x38;
	[tilespmem:$0x1EC00] =	vst v63  }
0x11c: {  	s22 =	simm.s32 $0x14C00;
	s23 =	rddreg [dreg:$0x16];
	s18 =	sadd.s32 s17, s21  }
0x11d: {  	[hbm4b:s18+s2] =	stream.linear.scatter [tilespmem:s22], [sflag:$0x1], $0x800, $0x38;
	[tilespmem:$0x1EC00] =	vst v63  }
0x11e: {  	s24 =	simm.s32 $0x15400;
	s19 =	rddreg [dreg:$0x17];
	s18 =	sadd.s32 s17, s23  }
0x11f: {  	[hbm4b:s18+s2] =	stream.linear.scatter [tilespmem:s24], [sflag:$0x1], $0x800, $0x38;
	[tilespmem:$0x1EC00] =	vst v63  }
0x120: {  	s20 =	simm.s32 $0x15C00;
	s18 =	sadd.s32 s17, s19  }
0x121: {  	[hbm4b:s18+s2] =	stream.linear.scatter [tilespmem:s20], [sflag:$0x1], $0x800, $0x38;
	[tilespmem:$0x1EC00] =	vst v63  }
0x122: {  	s21 =	sadd.s32 s17, s26;
	s22 =	simm.s32 $0x16400  }
0x123: {  	[hbm4b:s21+s2] =	stream.linear.scatter [tilespmem:s22], [sflag:$0x1], $0x800, $0x38;
	[tilespmem:$0x1EC00] =	vst v63  }
0x124: {  	s23 =	sadd.s32 s17, s28;
	s24 =	simm.s32 $0x16C00  }
0x125: {  	[hbm4b:s23+s2] =	stream.linear.scatter [tilespmem:s24], [sflag:$0x1], $0x800, $0x38;
	[tilespmem:$0x1EC00] =	vst v63  }
0x126: {  	s19 =	sadd.s32 s17, s29;
	s20 =	simm.s32 $0x17400  }
0x127: {  	[hbm4b:s19+s2] =	stream.linear.scatter [tilespmem:s20], [sflag:$0x1], $0x800, $0x38;
	[tilespmem:$0x1EC00] =	vst v63  }
0x128: {  	s21 =	sadd.s32 s17, s30;
	s22 =	simm.s32 $0x17C00  }
0x129: {  	[hbm4b:s21+s2] =	stream.linear.scatter [tilespmem:s22], [sflag:$0x1], $0x800, $0x38;
	[tilespmem:$0x1EC00] =	vst v63  }
0x12a: {  	s23 =	sadd.s32 s17, s31;
	s24 =	simm.s32 $0x18400  }
0x12b: {  	[hbm4b:s23+s2] =	stream.linear.scatter [tilespmem:s24], [sflag:$0x1], $0x800, $0x38;
	[tilespmem:$0x1EC00] =	vst v63  }
0x12c: {  	s19 =	sadd.s32 s17, s0;
	s20 =	simm.s32 $0x18C00  }
0x12d: {  	[hbm4b:s19+s2] =	stream.linear.scatter [tilespmem:s20], [sflag:$0x1], $0x800, $0x38;
	[tilespmem:$0x1EC00] =	vst v63  }
0x12e: {  	s21 =	sadd.s32 s17, s6;
	s22 =	simm.s32 $0x19400  }
0x12f: {  	[hbm4b:s21+s2] =	stream.linear.scatter [tilespmem:s22], [sflag:$0x1], $0x800, $0x38;
	[tilespmem:$0x1EC00] =	vst v63  }
0x130: {  	s23 =	sadd.s32 s17, s7;
	s24 =	simm.s32 $0x19C00  }
0x131: {  	[hbm4b:s23+s2] =	stream.linear.scatter [tilespmem:s24], [sflag:$0x1], $0x800, $0x38;
	[tilespmem:$0x1EC00] =	vst v63  }
0x132: {  	s19 =	sadd.s32 s17, s8;
	s20 =	simm.s32 $0x1A400  }
0x133: {  	[hbm4b:s19+s2] =	stream.linear.scatter [tilespmem:s20], [sflag:$0x1], $0x800, $0x38;
	[tilespmem:$0x1EC00] =	vst v63  }
0x134: {  	s21 =	sadd.s32 s17, s9;
	s22 =	simm.s32 $0x1AC00  }
0x135: {  	[hbm4b:s21+s2] =	stream.linear.scatter [tilespmem:s22], [sflag:$0x1], $0x800, $0x38;
	[tilespmem:$0x1EC00] =	vst v63  }
0x136: {  	s23 =	sadd.s32 s17, s25;
	s24 =	simm.s32 $0x1B400  }
0x137: {  	[hbm4b:s23+s2] =	stream.linear.scatter [tilespmem:s24], [sflag:$0x1], $0x800, $0x38;
	[tilespmem:$0x1EC00] =	vst v63  }
0x138: {  	s19 =	sadd.s32 s17, s1;
	s20 =	simm.s32 $0x1BC00  }
0x139: {  	[hbm4b:s19+s2] =	stream.linear.scatter [tilespmem:s20], [sflag:$0x1], $0x800, $0x38;
	[tilespmem:$0x1EC00] =	vst v63  }
0x13a: {  	s21 =	sadd.s32 s17, s3;
	s22 =	simm.s32 $0x1C400  }
0x13b: {  	[hbm4b:s21+s2] =	stream.linear.scatter [tilespmem:s22], [sflag:$0x1], $0x800, $0x38;
	[tilespmem:$0x1EC00] =	vst v63  }
0x13c: {  	s23 =	sadd.s32 s17, s4;
	s24 =	simm.s32 $0x1CC00  }
0x13d: {  	[hbm4b:s23+s2] =	stream.linear.scatter [tilespmem:s24], [sflag:$0x1], $0x800, $0x38;
	[tilespmem:$0x1EC00] =	vst v63  }
0x13e: {  	s20 =	sadd.s32 s17, s5;
	s21 =	simm.s32 $0x1D400  }
0x13f: {  	[hbm4b:s20+s2] =	stream.linear.scatter [tilespmem:s21], [sflag:$0x1], $0x800, $0x38;
	[tilespmem:$0x1EC00] =	vst v63  }
0x140: {  	s22 =	sadd.s32 s17, s10;
	s23 =	simm.s32 $0x1DC00  }
0x141: {  	[hbm4b:s22+s2] =	stream.linear.scatter [tilespmem:s23], [sflag:$0x1], $0x800, $0x38;
	[tilespmem:$0x1EC00] =	vst v63  }
0x142: {  	s17 =	sadd.s32 s17, s11;
	s24 =	simm.s32 $0x1E400  }
0x143: {  	[hbm4b:s17+s2] =	stream.linear.scatter [tilespmem:s24], [sflag:$0x1], $0x800, $0x38;
	[tilespmem:$0x1EC00] =	vst v63  }
0x144: {  	_ =	swait.ge [sflag:s15], $0x800  }
0x145: {  	[sflag:s15] =	ssyncset.done $0x0  }
0x146: {  	[sflag:s15] =	ssyncadd.s32 $0xFFFFF800  }
0x147: {  	_ =	swait.ge [sflag:s15], $0x800  }
0x148: {  	[sflag:s15] =	ssyncset.done $0x0  }
0x149: {  	[sflag:s15] =	ssyncadd.s32 $0xFFFFF800  }
0x14a: {  	_ =	swait.ge [sflag:s15], $0x800  }
0x14b: {  	[sflag:s15] =	ssyncset.done $0x0  }
0x14c: {  	[sflag:s15] =	ssyncadd.s32 $0xFFFFF800  }
0x14d: {  	_ =	swait.ge [sflag:s15], $0x800  }
0x14e: {  	[sflag:s15] =	ssyncset.done $0x0  }
0x14f: {  	[sflag:s15] =	ssyncadd.s32 $0xFFFFF800  }
0x150: {  	_ =	swait.ge [sflag:s15], $0x800  }
0x151: {  	[sflag:s15] =	ssyncset.done $0x0  }
0x152: {  	[sflag:s15] =	ssyncadd.s32 $0xFFFFF800  }
0x153: {  	_ =	swait.ge [sflag:s15], $0x800  }
0x154: {  	[sflag:s15] =	ssyncset.done $0x0  }
0x155: {  	[sflag:s15] =	ssyncadd.s32 $0xFFFFF800  }
0x156: {  	_ =	swait.ge [sflag:s15], $0x800  }
0x157: {  	[sflag:s15] =	ssyncset.done $0x0  }
0x158: {  	[sflag:s15] =	ssyncadd.s32 $0xFFFFF800  }
0x159: {  	_ =	swait.ge [sflag:s15], $0x800  }
0x15a: {  	[sflag:s15] =	ssyncset.done $0x0  }
0x15b: {  	[sflag:s15] =	ssyncadd.s32 $0xFFFFF800  }
0x15c: {  	_ =	swait.ge [sflag:s15], $0x800  }
0x15d: {  	[sflag:s15] =	ssyncset.done $0x0  }
0x15e: {  	[sflag:s15] =	ssyncadd.s32 $0xFFFFF800  }
0x15f: {  	_ =	swait.ge [sflag:s15], $0x800  }
0x160: {  	[sflag:s15] =	ssyncset.done $0x0  }
0x161: {  	[sflag:s15] =	ssyncadd.s32 $0xFFFFF800  }
0x162: {  	_ =	swait.ge [sflag:s15], $0x800  }
0x163: {  	[sflag:s15] =	ssyncset.done $0x0  }
0x164: {  	[sflag:s15] =	ssyncadd.s32 $0xFFFFF800  }
0x165: {  	_ =	swait.ge [sflag:s15], $0x800  }
0x166: {  	[sflag:s15] =	ssyncset.done $0x0  }
0x167: {  	[sflag:s15] =	ssyncadd.s32 $0xFFFFF800  }
0x168: {  	_ =	swait.ge [sflag:s15], $0x800  }
0x169: {  	[sflag:s15] =	ssyncset.done $0x0  }
0x16a: {  	[sflag:s15] =	ssyncadd.s32 $0xFFFFF800  }
0x16b: {  	_ =	swait.ge [sflag:s15], $0x800  }
0x16c: {  	[sflag:s15] =	ssyncset.done $0x0  }
0x16d: {  	[sflag:s15] =	ssyncadd.s32 $0xFFFFF800  }
0x16e: {  	_ =	swait.ge [sflag:s15], $0x800  }
0x16f: {  	[sflag:s15] =	ssyncset.done $0x0  }
0x170: {  	[sflag:s15] =	ssyncadd.s32 $0xFFFFF800  }
0x171: {  	_ =	swait.ge [sflag:s15], $0x800  }
0x172: {  	[sflag:s15] =	ssyncset.done $0x0  }
0x173: {  	[sflag:s15] =	ssyncadd.s32 $0xFFFFF800  }
0x174: {  	_ =	swait.ge [sflag:s15], $0x800  }
0x175: {  	[sflag:s15] =	ssyncset.done $0x0  }
0x176: {  	[sflag:s15] =	ssyncadd.s32 $0xFFFFF800  }
0x177: {  	_ =	swait.ge [sflag:s15], $0x800  }
0x178: {  	[sflag:s15] =	ssyncset.done $0x0  }
0x179: {  	[sflag:s15] =	ssyncadd.s32 $0xFFFFF800  }
0x17a: {  	_ =	swait.ge [sflag:s15], $0x800  }
0x17b: {  	[sflag:s15] =	ssyncset.done $0x0  }
0x17c: {  	[sflag:s15] =	ssyncadd.s32 $0xFFFFF800  }
0x17d: {  	_ =	swait.ge [sflag:s15], $0x800  }
0x17e: {  	[sflag:s15] =	ssyncset.done $0x0  }
0x17f: {  	[sflag:s15] =	ssyncadd.s32 $0xFFFFF800  }
0x180: {  	_ =	swait.ge [sflag:s15], $0x800  }
0x181: {  	[sflag:s15] =	ssyncset.done $0x0  }
0x182: {  	[sflag:s15] =	ssyncadd.s32 $0xFFFFF800  }
0x183: {  	_ =	swait.ge [sflag:s15], $0x800  }
0x184: {  	[sflag:s15] =	ssyncset.done $0x0  }
0x185: {  	[sflag:s15] =	ssyncadd.s32 $0xFFFFF800  }
0x186: {  	_ =	swait.ge [sflag:s15], $0x800  }
0x187: {  	[sflag:s15] =	ssyncset.done $0x0  }
0x188: {  	[sflag:s15] =	ssyncadd.s32 $0xFFFFF800  }
0x189: {  	_ =	swait.ge [sflag:s15], $0x800  }
0x18a: {  	[sflag:s15] =	ssyncset.done $0x0  }
0x18b: {  	[sflag:s15] =	ssyncadd.s32 $0xFFFFF800  }
0x18c: {  	_ =	swait.ge [sflag:s15], $0x800  }
0x18d: {  	[sflag:s15] =	ssyncset.done $0x0  }
0x18e: {  	[sflag:s15] =	ssyncadd.s32 $0xFFFFF800  }
0x18f: {  	_ =	swait.ge [sflag:s15], $0x800  }
0x190: {  	[sflag:s15] =	ssyncset.done $0x0  }
0x191: {  	[sflag:s15] =	ssyncadd.s32 $0xFFFFF800  }
0x192: {  	_ =	swait.ge [sflag:s15], $0x800  }
0x193: {  	[sflag:s15] =	ssyncset.done $0x0  }
0x194: {  	[sflag:s15] =	ssyncadd.s32 $0xFFFFF800  }
0x195: {  	_ =	swait.ge [sflag:s15], $0x800  }
0x196: {  	[sflag:s15] =	ssyncset.done $0x0  }
0x197: {  	[sflag:s15] =	ssyncadd.s32 $0xFFFFF800  }
0x198: {  	_ =	swait.ge [sflag:s15], $0x800  }
0x199: {  	[sflag:s15] =	ssyncset.done $0x0  }
0x19a: {  	[sflag:s15] =	ssyncadd.s32 $0xFFFFF800  }
0x19b: {  	_ =	swait.ge [sflag:s15], $0x800  }
0x19c: {  	[sflag:s15] =	ssyncset.done $0x0  }
0x19d: {  	s16 =	sadd.s32 $0x1, s16;
	[sflag:s15] =	ssyncadd.s32 $0xFFFFF800  }
0x19e: {  	p0 =	sne.s32 s16, $0x10;
	_ =	swait.ge [sflag:s15], $0x800  }
.Ltmp1:
0x19f: {  	[sflag:s15] =	ssyncset.done $0x0;
	(pc) =	sbr.rel @p0 .LBB2_2-.Ltmp1, $4  }
0x1a0: {  	[sflag:s15] =	ssyncadd.s32 $0xFFFFF800  }
0x1a1: {  	_ =	swait.ge [sflag:s15], $0x800  }
0x1a2: {  	[sflag:s15] =	ssyncset.done $0x0  }
0x1a3: {  	[sflag:s15] =	ssyncadd.s32 $0xFFFFF800  }
0x1a4: {  	s17 =	rddreg [dreg:$0x19]  }
0x1a5: {  	s16 =	rddreg [dreg:$0x18];
	s17 =	sadd.s32 $0x1, s17  }
0x1a6: {  	p0 =	sne.s32 s17, s16  }
.Ltmp2:
0x1a7: {  	_ = 	snop;
	(pc) =	sbr.rel @p0 .LBB2_1-.Ltmp2, $1  }
0x1a8: {  	_ =	sdelay $0x3  }
0x1a9: {  	_ =	sfence.sel $0x180000  }
0x1aa: {  	[bflag:$0x0] =	sbarrier.arrive $0xFFFF  }
0x1ab: {  	_ =	strace $0x90000047  }
0x1ac: {  	s0 =	stileid.u32;
	[bflag:$0x2] =	sbarrier.arrive $0xFFFF  }
0x1ad: {  	p0 =	sne.s32 s0, $0x0;
	s0 =	rddreg [dreg:$0x2]  }
0x1ae: {  	s0 =	sadd.s32 @!p0 $0x100000, s0  }
0x1af: {  	[sflag:s0] =	ssyncadd.tile.s32 @!p0 $0x1;
	_ =	shalt  }
.Lfunc_end2:
_tile_overlayer_lowered:
.L_overlay_start_2:
0x1b0: {  	(tag) =	ssettag $0x2  }
0x1b1: {  	s0 =	rddreg [dreg:$0x0];
	s2 =	stileid.u32  }
0x1b2: {  	s1 =	rddreg [dreg:$0x1];
	p0 =	sne.s32 s2, $0x0  }
0x1b3: {  	s3 =	rddreg [dreg:$0x2];
	[bflag:$0x3] =	sbarrier.arrive $0xFFFF;
	s2 =	simm.s32 @!p0 $0x1C02  }
0x1b4: {  	[timem:s3], [sflag:s2] =	dma.local @!p0 [hbm:s0], s1  }
0x1b5: {  	s0 =	simm.s32 @!p0 $0x2  }
0x1b6: {  	_ =	swait.ge @!p0 [sflag:s0], s1  }
0x1b7: {  	s1 =	ssub.s32 @!p0 $0x0, s1;
	[sflag:s0] =	ssyncset.done @!p0 $0x0  }
0x1b8: {  	[sflag:s0] =	ssyncadd.s32 @!p0 s1  }
0x1b9: {  	[bflag:$0x3] =	sbarrier.arrive $0xFFFF  }
0x1ba: {  	_ =	shalt  }

</sc_bundles>
